<compile_context>
chip_gen: v7x
topology: tpu7x:2x2x1
jax: 0.10.2.dev20260603
libtpu: 0.0.44.dev20260713+nightly
codegen_flags: <defaults>
</compile_context>

<pallas_src>
import functools

import jax
import jax.numpy as jnp
import numpy as np
from jax import lax
from jax.experimental import pallas as pl
from jax.experimental.pallas import tpu as pltpu
from jax.experimental.pallas import tpu_sc as plsc

D_MODEL = 128
N_ATOMS = 262144
N_ATOM_TYPES = 23

_ATOMIC_NUMBERS = np.array([0, 1, 6, 7, 8, 9, 15, 16, 17, 35, 53, 5, 14, 34, 33, 26, 30, 20, 12, 11, 19, 25, 29], dtype=np.float32)
_ELECTRONEG = np.array([2.0, 2.2, 2.55, 3.04, 3.44, 3.98, 2.19, 2.58, 3.16, 2.96, 2.66, 2.04, 1.9, 2.55, 2.18, 1.83, 1.65, 1.0, 1.31, 0.93, 0.82, 1.55, 1.9], dtype=np.float32)
_RADII = np.array([1.7, 1.2, 1.7, 1.55, 1.52, 1.47, 1.8, 1.8, 1.75, 1.85, 1.98, 1.92, 2.1, 1.9, 1.85, 2.0, 1.39, 2.31, 1.73, 2.27, 2.75, 2.05, 1.4], dtype=np.float32)
_PROPS = np.stack([_ATOMIC_NUMBERS, _ELECTRONEG, _RADII], axis=-1)

N_HYB = 5
N_CHG = 11
N_FUSED = N_ATOM_TYPES * N_HYB * N_CHG

_J = np.arange(N_FUSED)
_SEL_A = np.zeros((N_FUSED, N_ATOM_TYPES), np.float32)
_SEL_A[_J, _J // (N_HYB * N_CHG)] = 1.0
_SEL_H = np.zeros((N_FUSED, N_HYB), np.float32)
_SEL_H[_J, (_J // N_CHG) % N_HYB] = 1.0
_SEL_C = np.zeros((N_FUSED, N_CHG), np.float32)
_SEL_C[_J, _J % N_CHG] = 1.0

_NC = 2
_NS = 16
_NW = _NC * _NS
_APT = N_ATOMS // _NW
_CH = 64
_NCHUNK = _APT // _CH
_NBUF = 4
_NGROUP = _NCHUNK // _NBUF
_L = 16


def _fold_body(atom_ref, hyb_ref, chg_ref, pw_ref, pb_ref, ow_ref, ob_ref, props_ref,
               sa_ref, sh_ref, sc_ref, out_ref):
    pw = pw_ref[...]
    props = props_ref[...]
    p32 = (props[:, 0:1] * pw[0:1, :]
           + props[:, 1:2] * pw[1:2, :]
           + props[:, 2:3] * pw[2:3, :]
           + pb_ref[...][None, :])
    a = (jnp.dot(atom_ref[...], ow_ref[0:32, :], preferred_element_type=jnp.float32)
         + jnp.dot(p32, ow_ref[32:64, :], preferred_element_type=jnp.float32))
    h = jnp.dot(hyb_ref[...], ow_ref[64:96, :], preferred_element_type=jnp.float32)
    c = jnp.dot(chg_ref[...], ow_ref[96:128, :], preferred_element_type=jnp.float32)
    c = c + ob_ref[...][None, :]
    out_ref[...] = (jnp.dot(sa_ref[...], a, preferred_element_type=jnp.float32)
                    + jnp.dot(sh_ref[...], h, preferred_element_type=jnp.float32)
                    + jnp.dot(sc_ref[...], c, preferred_element_type=jnp.float32))


def _fold_tables(atom_table, hyb_table, charge_table, prop_W, prop_b, out_W, out_b):
    return pl.pallas_call(
        _fold_body,
        out_shape=jax.ShapeDtypeStruct((N_FUSED, D_MODEL), jnp.float32),
    )(atom_table, hyb_table, charge_table, prop_W, prop_b, out_W, out_b,
      jnp.asarray(_PROPS), jnp.asarray(_SEL_A), jnp.asarray(_SEL_H), jnp.asarray(_SEL_C))


def _sc_body(at_hbm, hy_hbm, fc_hbm, fused_hbm, out_hbm, at_v, hy_v, fc_v, idx_v, buf_v,
             spt, *sems):
    gsems = sems[:_NBUF]
    wsems = sems[_NBUF:]
    sid = lax.axis_index("s")
    wid = sid * _NC + lax.axis_index("c")
    base = wid * _APT

    pltpu.make_async_copy(at_hbm.at[pl.ds(base, _APT)], at_v, sems[0]).start()
    pltpu.make_async_copy(hy_hbm.at[pl.ds(base, _APT)], hy_v, sems[1]).start()
    pltpu.make_async_copy(fc_hbm.at[pl.ds(base, _APT)], fc_v, sems[2]).start()

    @pl.when(sid == 0)
    def _():
        pltpu.sync_copy(fused_hbm, spt)

    pltpu.make_async_copy(at_hbm.at[pl.ds(base, _APT)], at_v, sems[0]).wait()
    pltpu.make_async_copy(hy_hbm.at[pl.ds(base, _APT)], hy_v, sems[1]).wait()
    pltpu.make_async_copy(fc_hbm.at[pl.ds(base, _APT)], fc_v, sems[2]).wait()

    def idx_chunk(c):
        for j in range(_CH // _L):
            s = pl.ds(c * _CH + j * _L, _L)
            t = at_v[s]
            h = hy_v[s]
            f = fc_v[s]
            f5 = jnp.clip(f + 5, 0, 10)
            idx_v[c, pl.ds(j * _L, _L)] = t * (N_HYB * N_CHG) + h * N_CHG + f5

    for b in range(_NBUF):
        idx_chunk(b)

    plsc.subcore_barrier()

    def _g(c, b):
        return pltpu.make_async_copy(spt.at[idx_v.at[c]], buf_v.at[b], gsems[b])

    def _w(c, b):
        return pltpu.make_async_copy(buf_v.at[b], out_hbm.at[pl.ds(base + c * _CH, _CH)],
                                     wsems[b])

    for b in range(_NBUF):
        _g(b, b).start()

    def group(g, _):
        for b in range(_NBUF):
            c = g * _NBUF + b
            _g(c, b).wait()
            _w(c, b).start()

            @pl.when(c + _NBUF < _NCHUNK)
            def _():
                idx_chunk(c + _NBUF)
                _w(c, b).wait()
                _g(c + _NBUF, b).start()

        return 0

    lax.fori_loop(0, _NGROUP, group, 0)

    for b in range(_NBUF):
        _w(_NCHUNK - _NBUF + b, b).wait()


@functools.partial(jax.jit, static_argnames=())
def _sc_lookup(atom_types, hybridization, formal_charges, fused):
    mesh = plsc.VectorSubcoreMesh(core_axis_name="c", subcore_axis_name="s")
    k = pl.kernel(
        _sc_body,
        out_type=jax.ShapeDtypeStruct((N_ATOMS, D_MODEL), jnp.float32),
        mesh=mesh,
        scratch_types=[
            pltpu.VMEM((_APT,), jnp.int32),
            pltpu.VMEM((_APT,), jnp.int32),
            pltpu.VMEM((_APT,), jnp.int32),
            pltpu.VMEM((_NCHUNK, _CH), jnp.int32),
            pltpu.VMEM((_NBUF, _CH, D_MODEL), jnp.float32),
            pltpu.VMEM_SHARED((N_FUSED, D_MODEL), jnp.float32),
        ] + [pltpu.SemaphoreType.DMA] * (2 * _NBUF),
    )
    return k(atom_types, hybridization, formal_charges, fused)


def kernel(atom_types, hybridization, formal_charges, atom_table, hyb_table, charge_table, prop_W, prop_b, out_W, out_b):
    fused = _fold_tables(atom_table, hyb_table, charge_table, prop_W, prop_b, out_W, out_b)
    return _sc_lookup(atom_types.astype(jnp.int32),
                      hybridization.astype(jnp.int32),
                      formal_charges.astype(jnp.int32),
                      fused)

# --- scband reference (transcript-rebuilt; emitter-appended) ---
"""Pipeline reference for scband-ligand-encoder-75282186764808 (READ-ONLY COPY).

The authoritative reference and input builder live on the scoring server;
editing this copy changes nothing except your own understanding.
"""

import jax, jax.numpy as jnp
import numpy as np

D_MODEL = 128
N_ATOMS = 262144
N_ATOM_TYPES = 23

ATOMIC_NUMBERS = np.array([0, 1, 6, 7, 8, 9, 15, 16, 17, 35, 53, 5, 14, 34, 33, 26, 30, 20, 12, 11, 19, 25, 29], dtype=np.float32)
ELECTRONEG = np.array([2.0, 2.2, 2.55, 3.04, 3.44, 3.98, 2.19, 2.58, 3.16, 2.96, 2.66, 2.04, 1.9, 2.55, 2.18, 1.83, 1.65, 1.0, 1.31, 0.93, 0.82, 1.55, 1.9], dtype=np.float32)
RADII = np.array([1.7, 1.2, 1.7, 1.55, 1.52, 1.47, 1.8, 1.8, 1.75, 1.85, 1.98, 1.92, 2.1, 1.9, 1.85, 2.0, 1.39, 2.31, 1.73, 2.27, 2.75, 2.05, 1.4], dtype=np.float32)


def setup_inputs(seed: int = 0) -> dict:
    key = jax.random.key(seed)
    ks = jax.random.split(key, 8)
    d4 = D_MODEL // 4
    atom_types = jax.random.randint(ks[0], (N_ATOMS,), 0, N_ATOM_TYPES)
    hybridization = jax.random.randint(ks[1], (N_ATOMS,), 0, 5)
    formal_charges = jax.random.randint(ks[2], (N_ATOMS,), 0, 5)
    atom_table = jax.random.normal(ks[3], (N_ATOM_TYPES, d4), dtype=jnp.float32) * 0.02
    hyb_table = jax.random.normal(ks[4], (5, d4), dtype=jnp.float32) * 0.02
    charge_table = jax.random.normal(ks[5], (11, d4), dtype=jnp.float32) * 0.02
    prop_W = jax.random.normal(ks[6], (3, d4), dtype=jnp.float32) * 0.02
    prop_b = jnp.zeros((d4,), dtype=jnp.float32)
    out_W = jax.random.normal(ks[7], (D_MODEL, D_MODEL), dtype=jnp.float32) * 0.02
    out_b = jnp.zeros((D_MODEL,), dtype=jnp.float32)
    return {"atom_types": atom_types, "hybridization": hybridization, "formal_charges": formal_charges, "atom_table": atom_table, "hyb_table": hyb_table, "charge_table": charge_table, "prop_W": prop_W, "prop_b": prop_b, "out_W": out_W, "out_b": out_b}


def reference(atom_types, hybridization, formal_charges, atom_table, hyb_table, charge_table, prop_W, prop_b, out_W, out_b):
    atomic_nums = jnp.asarray(ATOMIC_NUMBERS)[atom_types]
    electroneg = jnp.asarray(ELECTRONEG)[atom_types]
    radii = jnp.asarray(RADII)[atom_types]
    atom_emb = jnp.take(atom_table, atom_types, axis=0)
    properties = jnp.stack([atomic_nums, electroneg, radii], axis=-1)
    prop_emb = properties @ prop_W + prop_b
    hyb_emb = jnp.take(hyb_table, hybridization, axis=0)
    fc = jnp.clip(formal_charges + 5, 0, 10)
    charge_emb = jnp.take(charge_table, fc, axis=0)
    combined = jnp.concatenate([atom_emb, prop_emb, hyb_emb, charge_emb], axis=-1)
    output = combined @ out_W + out_b
    return output

if __name__ == "__main__":
    import jax
    _d = setup_inputs()
    print(jax.jit(kernel)(*tuple(_d.values())))

</pallas_src>

<mosaic_0001>
#map = affine_map<(d0, d1) -> (0)>
#map1 = affine_map<(d0, d1) -> (0, 0)>
module attributes {stable_mosaic.version = 14 : i64} {
  func.func @_sc_body(%arg0: i32, %arg1: i32, %arg2: memref<262144xi32, #tpu.memory_space<hbm>>, %arg3: memref<262144xi32, #tpu.memory_space<hbm>>, %arg4: memref<262144xi32, #tpu.memory_space<hbm>>, %arg5: memref<1265x128xf32, #tpu.memory_space<hbm>>, %arg6: memref<262144x128xf32, #tpu.memory_space<hbm>>, %arg7: memref<8192xi32, #tpu.memory_space<vmem>>, %arg8: memref<8192xi32, #tpu.memory_space<vmem>>, %arg9: memref<8192xi32, #tpu.memory_space<vmem>>, %arg10: memref<128x64xi32, #tpu.memory_space<vmem>>, %arg11: memref<4x64x128xf32, #tpu.memory_space<vmem>>, %arg12: memref<1265x128xf32, #tpu.memory_space<vmem_shared>>, %arg13: memref<!tpu.dma_semaphore, #tpu.memory_space<semaphore_mem>>, %arg14: memref<!tpu.dma_semaphore, #tpu.memory_space<semaphore_mem>>, %arg15: memref<!tpu.dma_semaphore, #tpu.memory_space<semaphore_mem>>, %arg16: memref<!tpu.dma_semaphore, #tpu.memory_space<semaphore_mem>>, %arg17: memref<!tpu.dma_semaphore, #tpu.memory_space<semaphore_mem>>, %arg18: memref<!tpu.dma_semaphore, #tpu.memory_space<semaphore_mem>>, %arg19: memref<!tpu.dma_semaphore, #tpu.memory_space<semaphore_mem>>, %arg20: memref<!tpu.dma_semaphore, #tpu.memory_space<semaphore_mem>>) attributes {dimension_semantics = [#tpu.dimension_semantics<core_parallel>, #tpu.dimension_semantics<subcore_parallel>], iteration_bounds = array<i64: 2, 16>, scalar_prefetch = 0 : i64, scratch_operands = 14 : i64, tpu.core_type = #tpu.core_type<sc_vector_subcore>, window_params = [{transform_indices = #map}, {transform_indices = #map}, {transform_indices = #map}, {transform_indices = #map1}, {transform_indices = #map1}]} {
    %mul3A = arith.constant 2 : i32
    %mul3A_0 = arith.muli %arg1, %mul3A : i32
    %add3A = arith.addi %mul3A_0, %arg0 : i32
    %mul3A_1 = arith.constant 8192 : i32
    %mul3A_2 = arith.muli %add3A, %mul3A_1 : i32
    %dma_start3A = tpu.memref_slice %arg2[%mul3A_2] : memref<262144xi32, #tpu.memory_space<hbm>> -> memref<8192xi32, #tpu.memory_space<hbm>>
    %dma_start3A_3 = tpu.memref_slice %arg2[%mul3A_2] : memref<262144xi32, #tpu.memory_space<hbm>> -> memref<8192xi32, #tpu.memory_space<hbm>>
    tpu.enqueue_dma source(%dma_start3A_3 : memref<8192xi32, #tpu.memory_space<hbm>>) target(%arg7 : memref<8192xi32, #tpu.memory_space<vmem>>) target_semaphore(%arg13 : memref<!tpu.dma_semaphore, #tpu.memory_space<semaphore_mem>>)
    %dma_start3A_4 = tpu.memref_slice %arg3[%mul3A_2] : memref<262144xi32, #tpu.memory_space<hbm>> -> memref<8192xi32, #tpu.memory_space<hbm>>
    %dma_start3A_5 = tpu.memref_slice %arg3[%mul3A_2] : memref<262144xi32, #tpu.memory_space<hbm>> -> memref<8192xi32, #tpu.memory_space<hbm>>
    tpu.enqueue_dma source(%dma_start3A_5 : memref<8192xi32, #tpu.memory_space<hbm>>) target(%arg8 : memref<8192xi32, #tpu.memory_space<vmem>>) target_semaphore(%arg14 : memref<!tpu.dma_semaphore, #tpu.memory_space<semaphore_mem>>)
    %dma_start3A_6 = tpu.memref_slice %arg4[%mul3A_2] : memref<262144xi32, #tpu.memory_space<hbm>> -> memref<8192xi32, #tpu.memory_space<hbm>>
    %dma_start3A_7 = tpu.memref_slice %arg4[%mul3A_2] : memref<262144xi32, #tpu.memory_space<hbm>> -> memref<8192xi32, #tpu.memory_space<hbm>>
    tpu.enqueue_dma source(%dma_start3A_7 : memref<8192xi32, #tpu.memory_space<hbm>>) target(%arg9 : memref<8192xi32, #tpu.memory_space<vmem>>) target_semaphore(%arg15 : memref<!tpu.dma_semaphore, #tpu.memory_space<semaphore_mem>>)
    %eq3A = arith.constant 0 : i32
    %eq3A_8 = arith.cmpi eq, %arg1, %eq3A : i32
    %convert_element_type3A = arith.extui %eq3A_8 : i1 to i32
    %cond3A = arith.constant 0 : i32
    %cond3A_9 = arith.cmpi ne, %convert_element_type3A, %cond3A : i32
    scf.if %cond3A_9 {
      "tpu.region"() ({
        %run_scoped3A = tpu.sem_alloc : memref<!tpu.dma_semaphore, #tpu.memory_space<semaphore_mem>>
        tpu.enqueue_dma source(%arg5 : memref<1265x128xf32, #tpu.memory_space<hbm>>) target(%arg12 : memref<1265x128xf32, #tpu.memory_space<vmem_shared>>) target_semaphore(%run_scoped3A : memref<!tpu.dma_semaphore, #tpu.memory_space<semaphore_mem>>)
        tpu.wait_dma2 semaphore(%run_scoped3A : memref<!tpu.dma_semaphore, #tpu.memory_space<semaphore_mem>>) src(%arg5 : memref<1265x128xf32, #tpu.memory_space<hbm>>) dst(%arg12 : memref<1265x128xf32, #tpu.memory_space<vmem_shared>>)
        tpu.yield
      }) : () -> ()
    } else {
    }
    %dma_wait3A = tpu.memref_slice %arg2[%mul3A_2] : memref<262144xi32, #tpu.memory_space<hbm>> -> memref<8192xi32, #tpu.memory_space<hbm>>
    %dma_wait3A_10 = tpu.memref_slice %arg2[%mul3A_2] : memref<262144xi32, #tpu.memory_space<hbm>> -> memref<8192xi32, #tpu.memory_space<hbm>>
    tpu.wait_dma2 semaphore(%arg13 : memref<!tpu.dma_semaphore, #tpu.memory_space<semaphore_mem>>) src(%dma_wait3A_10 : memref<8192xi32, #tpu.memory_space<hbm>>) dst(%arg7 : memref<8192xi32, #tpu.memory_space<vmem>>)
    %dma_wait3A_11 = tpu.memref_slice %arg3[%mul3A_2] : memref<262144xi32, #tpu.memory_space<hbm>> -> memref<8192xi32, #tpu.memory_space<hbm>>
    %dma_wait3A_12 = tpu.memref_slice %arg3[%mul3A_2] : memref<262144xi32, #tpu.memory_space<hbm>> -> memref<8192xi32, #tpu.memory_space<hbm>>
    tpu.wait_dma2 semaphore(%arg14 : memref<!tpu.dma_semaphore, #tpu.memory_space<semaphore_mem>>) src(%dma_wait3A_12 : memref<8192xi32, #tpu.memory_space<hbm>>) dst(%arg8 : memref<8192xi32, #tpu.memory_space<vmem>>)
    %dma_wait3A_13 = tpu.memref_slice %arg4[%mul3A_2] : memref<262144xi32, #tpu.memory_space<hbm>> -> memref<8192xi32, #tpu.memory_space<hbm>>
    %dma_wait3A_14 = tpu.memref_slice %arg4[%mul3A_2] : memref<262144xi32, #tpu.memory_space<hbm>> -> memref<8192xi32, #tpu.memory_space<hbm>>
    tpu.wait_dma2 semaphore(%arg15 : memref<!tpu.dma_semaphore, #tpu.memory_space<semaphore_mem>>) src(%dma_wait3A_14 : memref<8192xi32, #tpu.memory_space<hbm>>) dst(%arg9 : memref<8192xi32, #tpu.memory_space<vmem>>)
    %get3A = arith.constant 0 : index
    %get3A_15 = tpu.vector_load %arg7[%get3A] {strides = array<i32>} : memref<8192xi32, #tpu.memory_space<vmem>>, vector<16xi32>,
    %get3A_16 = vector.shape_cast %get3A_15 : vector<16xi32> to vector<16xi32>
    %get3A_17 = arith.constant 0 : index
    %get3A_18 = tpu.vector_load %arg8[%get3A_17] {strides = array<i32>} : memref<8192xi32, #tpu.memory_space<vmem>>, vector<16xi32>,
    %get3A_19 = vector.shape_cast %get3A_18 : vector<16xi32> to vector<16xi32>
    %get3A_20 = arith.constant 0 : index
    %get3A_21 = tpu.vector_load %arg9[%get3A_20] {strides = array<i32>} : memref<8192xi32, #tpu.memory_space<vmem>>, vector<16xi32>,
    %get3A_22 = vector.shape_cast %get3A_21 : vector<16xi32> to vector<16xi32>
    %add3A_23 = arith.constant 5 : i32
    %add3A_24 = vector.broadcast %add3A_23 : i32 to vector<16xi32>
    %add3A_25 = arith.addi %get3A_22, %add3A_24 : vector<16xi32>
    %jit3A = arith.constant 0 : i32
    %jit3A_26 = arith.constant 10 : i32
    %max3A = vector.broadcast %jit3A : i32 to vector<16xi32>
    %max3A_27 = arith.maxsi %max3A, %add3A_25 : vector<16xi32>
    %min3A = vector.broadcast %jit3A_26 : i32 to vector<16xi32>
    %min3A_28 = arith.minsi %min3A, %max3A_27 : vector<16xi32>
    %mul3A_29 = arith.constant 55 : i32
    %mul3A_30 = vector.broadcast %mul3A_29 : i32 to vector<16xi32>
    %mul3A_31 = arith.muli %get3A_16, %mul3A_30 : vector<16xi32>
    %mul3A_32 = arith.constant 11 : i32
    %mul3A_33 = vector.broadcast %mul3A_32 : i32 to vector<16xi32>
    %mul3A_34 = arith.muli %get3A_19, %mul3A_33 : vector<16xi32>
    %add3A_35 = arith.addi %mul3A_31, %mul3A_34 : vector<16xi32>
    %add3A_36 = arith.addi %add3A_35, %min3A_28 : vector<16xi32>
    %swap3A = arith.constant 0 : i32
    %swap3A_37 = arith.index_cast %swap3A : i32 to index
    %swap3A_38 = arith.constant 0 : index
    %swap3A_39 = tpu.vector_load %arg10[%swap3A_37, %swap3A_38] {strides = array<i32>} : memref<128x64xi32, #tpu.memory_space<vmem>>, vector<1x16xi32>,
    %swap3A_40 = vector.shape_cast %swap3A_39 : vector<1x16xi32> to vector<16xi32>
    %swap3A_41 = vector.shape_cast %add3A_36 : vector<16xi32> to vector<1x16xi32>
    tpu.vector_store %arg10[%swap3A_37, %swap3A_38], %swap3A_41 {strides = array<i32>} : memref<128x64xi32, #tpu.memory_space<vmem>>, vector<1x16xi32>,
    %get3A_42 = arith.constant 16 : index
    %get3A_43 = tpu.vector_load %arg7[%get3A_42] {strides = array<i32>} : memref<8192xi32, #tpu.memory_space<vmem>>, vector<16xi32>,
    %get3A_44 = vector.shape_cast %get3A_43 : vector<16xi32> to vector<16xi32>
    %get3A_45 = arith.constant 16 : index
    %get3A_46 = tpu.vector_load %arg8[%get3A_45] {strides = array<i32>} : memref<8192xi32, #tpu.memory_space<vmem>>, vector<16xi32>,
    %get3A_47 = vector.shape_cast %get3A_46 : vector<16xi32> to vector<16xi32>
    %get3A_48 = arith.constant 16 : index
    %get3A_49 = tpu.vector_load %arg9[%get3A_48] {strides = array<i32>} : memref<8192xi32, #tpu.memory_space<vmem>>, vector<16xi32>,
    %get3A_50 = vector.shape_cast %get3A_49 : vector<16xi32> to vector<16xi32>
    %add3A_51 = arith.constant 5 : i32
    %add3A_52 = vector.broadcast %add3A_51 : i32 to vector<16xi32>
    %add3A_53 = arith.addi %get3A_50, %add3A_52 : vector<16xi32>
    %jit3A_54 = arith.constant 0 : i32
    %jit3A_55 = arith.constant 10 : i32
    %max3A_56 = vector.broadcast %jit3A_54 : i32 to vector<16xi32>
    %max3A_57 = arith.maxsi %max3A_56, %add3A_53 : vector<16xi32>
    %min3A_58 = vector.broadcast %jit3A_55 : i32 to vector<16xi32>
    %min3A_59 = arith.minsi %min3A_58, %max3A_57 : vector<16xi32>
    %mul3A_60 = arith.constant 55 : i32
    %mul3A_61 = vector.broadcast %mul3A_60 : i32 to vector<16xi32>
    %mul3A_62 = arith.muli %get3A_44, %mul3A_61 : vector<16xi32>
    %mul3A_63 = arith.constant 11 : i32
    %mul3A_64 = vector.broadcast %mul3A_63 : i32 to vector<16xi32>
    %mul3A_65 = arith.muli %get3A_47, %mul3A_64 : vector<16xi32>
    %add3A_66 = arith.addi %mul3A_62, %mul3A_65 : vector<16xi32>
    %add3A_67 = arith.addi %add3A_66, %min3A_59 : vector<16xi32>
    %swap3A_68 = arith.constant 0 : i32
    %swap3A_69 = arith.index_cast %swap3A_68 : i32 to index
    %swap3A_70 = arith.constant 16 : index
    %swap3A_71 = tpu.vector_load %arg10[%swap3A_69, %swap3A_70] {strides = array<i32>} : memref<128x64xi32, #tpu.memory_space<vmem>>, vector<1x16xi32>,
    %swap3A_72 = vector.shape_cast %swap3A_71 : vector<1x16xi32> to vector<16xi32>
    %swap3A_73 = vector.shape_cast %add3A_67 : vector<16xi32> to vector<1x16xi32>
    tpu.vector_store %arg10[%swap3A_69, %swap3A_70], %swap3A_73 {strides = array<i32>} : memref<128x64xi32, #tpu.memory_space<vmem>>, vector<1x16xi32>,
    %get3A_74 = arith.constant 32 : index
    %get3A_75 = tpu.vector_load %arg7[%get3A_74] {strides = array<i32>} : memref<8192xi32, #tpu.memory_space<vmem>>, vector<16xi32>,
    %get3A_76 = vector.shape_cast %get3A_75 : vector<16xi32> to vector<16xi32>
    %get3A_77 = arith.constant 32 : index
    %get3A_78 = tpu.vector_load %arg8[%get3A_77] {strides = array<i32>} : memref<8192xi32, #tpu.memory_space<vmem>>, vector<16xi32>,
    %get3A_79 = vector.shape_cast %get3A_78 : vector<16xi32> to vector<16xi32>
    %get3A_80 = arith.constant 32 : index
    %get3A_81 = tpu.vector_load %arg9[%get3A_80] {strides = array<i32>} : memref<8192xi32, #tpu.memory_space<vmem>>, vector<16xi32>,
    %get3A_82 = vector.shape_cast %get3A_81 : vector<16xi32> to vector<16xi32>
    %add3A_83 = arith.constant 5 : i32
    %add3A_84 = vector.broadcast %add3A_83 : i32 to vector<16xi32>
    %add3A_85 = arith.addi %get3A_82, %add3A_84 : vector<16xi32>
    %jit3A_86 = arith.constant 0 : i32
    %jit3A_87 = arith.constant 10 : i32
    %max3A_88 = vector.broadcast %jit3A_86 : i32 to vector<16xi32>
    %max3A_89 = arith.maxsi %max3A_88, %add3A_85 : vector<16xi32>
    %min3A_90 = vector.broadcast %jit3A_87 : i32 to vector<16xi32>
    %min3A_91 = arith.minsi %min3A_90, %max3A_89 : vector<16xi32>
    %mul3A_92 = arith.constant 55 : i32
    %mul3A_93 = vector.broadcast %mul3A_92 : i32 to vector<16xi32>
    %mul3A_94 = arith.muli %get3A_76, %mul3A_93 : vector<16xi32>
    %mul3A_95 = arith.constant 11 : i32
    %mul3A_96 = vector.broadcast %mul3A_95 : i32 to vector<16xi32>
    %mul3A_97 = arith.muli %get3A_79, %mul3A_96 : vector<16xi32>
    %add3A_98 = arith.addi %mul3A_94, %mul3A_97 : vector<16xi32>
    %add3A_99 = arith.addi %add3A_98, %min3A_91 : vector<16xi32>
    %swap3A_100 = arith.constant 0 : i32
    %swap3A_101 = arith.index_cast %swap3A_100 : i32 to index
    %swap3A_102 = arith.constant 32 : index
    %swap3A_103 = tpu.vector_load %arg10[%swap3A_101, %swap3A_102] {strides = array<i32>} : memref<128x64xi32, #tpu.memory_space<vmem>>, vector<1x16xi32>,
    %swap3A_104 = vector.shape_cast %swap3A_103 : vector<1x16xi32> to vector<16xi32>
    %swap3A_105 = vector.shape_cast %add3A_99 : vector<16xi32> to vector<1x16xi32>
    tpu.vector_store %arg10[%swap3A_101, %swap3A_102], %swap3A_105 {strides = array<i32>} : memref<128x64xi32, #tpu.memory_space<vmem>>, vector<1x16xi32>,
    %get3A_106 = arith.constant 48 : index
    %get3A_107 = tpu.vector_load %arg7[%get3A_106] {strides = array<i32>} : memref<8192xi32, #tpu.memory_space<vmem>>, vector<16xi32>,
    %get3A_108 = vector.shape_cast %get3A_107 : vector<16xi32> to vector<16xi32>
    %get3A_109 = arith.constant 48 : index
    %get3A_110 = tpu.vector_load %arg8[%get3A_109] {strides = array<i32>} : memref<8192xi32, #tpu.memory_space<vmem>>, vector<16xi32>,
    %get3A_111 = vector.shape_cast %get3A_110 : vector<16xi32> to vector<16xi32>
    %get3A_112 = arith.constant 48 : index
    %get3A_113 = tpu.vector_load %arg9[%get3A_112] {strides = array<i32>} : memref<8192xi32, #tpu.memory_space<vmem>>, vector<16xi32>,
    %get3A_114 = vector.shape_cast %get3A_113 : vector<16xi32> to vector<16xi32>
    %add3A_115 = arith.constant 5 : i32
    %add3A_116 = vector.broadcast %add3A_115 : i32 to vector<16xi32>
    %add3A_117 = arith.addi %get3A_114, %add3A_116 : vector<16xi32>
    %jit3A_118 = arith.constant 0 : i32
    %jit3A_119 = arith.constant 10 : i32
    %max3A_120 = vector.broadcast %jit3A_118 : i32 to vector<16xi32>
    %max3A_121 = arith.maxsi %max3A_120, %add3A_117 : vector<16xi32>
    %min3A_122 = vector.broadcast %jit3A_119 : i32 to vector<16xi32>
    %min3A_123 = arith.minsi %min3A_122, %max3A_121 : vector<16xi32>
    %mul3A_124 = arith.constant 55 : i32
    %mul3A_125 = vector.broadcast %mul3A_124 : i32 to vector<16xi32>
    %mul3A_126 = arith.muli %get3A_108, %mul3A_125 : vector<16xi32>
    %mul3A_127 = arith.constant 11 : i32
    %mul3A_128 = vector.broadcast %mul3A_127 : i32 to vector<16xi32>
    %mul3A_129 = arith.muli %get3A_111, %mul3A_128 : vector<16xi32>
    %add3A_130 = arith.addi %mul3A_126, %mul3A_129 : vector<16xi32>
    %add3A_131 = arith.addi %add3A_130, %min3A_123 : vector<16xi32>
    %swap3A_132 = arith.constant 0 : i32
    %swap3A_133 = arith.index_cast %swap3A_132 : i32 to index
    %swap3A_134 = arith.constant 48 : index
    %swap3A_135 = tpu.vector_load %arg10[%swap3A_133, %swap3A_134] {strides = array<i32>} : memref<128x64xi32, #tpu.memory_space<vmem>>, vector<1x16xi32>,
    %swap3A_136 = vector.shape_cast %swap3A_135 : vector<1x16xi32> to vector<16xi32>
    %swap3A_137 = vector.shape_cast %add3A_131 : vector<16xi32> to vector<1x16xi32>
    tpu.vector_store %arg10[%swap3A_133, %swap3A_134], %swap3A_137 {strides = array<i32>} : memref<128x64xi32, #tpu.memory_space<vmem>>, vector<1x16xi32>,
    %get3A_138 = arith.constant 64 : index
    %get3A_139 = tpu.vector_load %arg7[%get3A_138] {strides = array<i32>} : memref<8192xi32, #tpu.memory_space<vmem>>, vector<16xi32>,
    %get3A_140 = vector.shape_cast %get3A_139 : vector<16xi32> to vector<16xi32>
    %get3A_141 = arith.constant 64 : index
    %get3A_142 = tpu.vector_load %arg8[%get3A_141] {strides = array<i32>} : memref<8192xi32, #tpu.memory_space<vmem>>, vector<16xi32>,
    %get3A_143 = vector.shape_cast %get3A_142 : vector<16xi32> to vector<16xi32>
    %get3A_144 = arith.constant 64 : index
    %get3A_145 = tpu.vector_load %arg9[%get3A_144] {strides = array<i32>} : memref<8192xi32, #tpu.memory_space<vmem>>, vector<16xi32>,
    %get3A_146 = vector.shape_cast %get3A_145 : vector<16xi32> to vector<16xi32>
    %add3A_147 = arith.constant 5 : i32
    %add3A_148 = vector.broadcast %add3A_147 : i32 to vector<16xi32>
    %add3A_149 = arith.addi %get3A_146, %add3A_148 : vector<16xi32>
    %jit3A_150 = arith.constant 0 : i32
    %jit3A_151 = arith.constant 10 : i32
    %max3A_152 = vector.broadcast %jit3A_150 : i32 to vector<16xi32>
    %max3A_153 = arith.maxsi %max3A_152, %add3A_149 : vector<16xi32>
    %min3A_154 = vector.broadcast %jit3A_151 : i32 to vector<16xi32>
    %min3A_155 = arith.minsi %min3A_154, %max3A_153 : vector<16xi32>
    %mul3A_156 = arith.constant 55 : i32
    %mul3A_157 = vector.broadcast %mul3A_156 : i32 to vector<16xi32>
    %mul3A_158 = arith.muli %get3A_140, %mul3A_157 : vector<16xi32>
    %mul3A_159 = arith.constant 11 : i32
    %mul3A_160 = vector.broadcast %mul3A_159 : i32 to vector<16xi32>
    %mul3A_161 = arith.muli %get3A_143, %mul3A_160 : vector<16xi32>
    %add3A_162 = arith.addi %mul3A_158, %mul3A_161 : vector<16xi32>
    %add3A_163 = arith.addi %add3A_162, %min3A_155 : vector<16xi32>
    %swap3A_164 = arith.constant 1 : i32
    %swap3A_165 = arith.index_cast %swap3A_164 : i32 to index
    %swap3A_166 = arith.constant 0 : index
    %swap3A_167 = tpu.vector_load %arg10[%swap3A_165, %swap3A_166] {strides = array<i32>} : memref<128x64xi32, #tpu.memory_space<vmem>>, vector<1x16xi32>,
    %swap3A_168 = vector.shape_cast %swap3A_167 : vector<1x16xi32> to vector<16xi32>
    %swap3A_169 = vector.shape_cast %add3A_163 : vector<16xi32> to vector<1x16xi32>
    tpu.vector_store %arg10[%swap3A_165, %swap3A_166], %swap3A_169 {strides = array<i32>} : memref<128x64xi32, #tpu.memory_space<vmem>>, vector<1x16xi32>,
    %get3A_170 = arith.constant 80 : index
    %get3A_171 = tpu.vector_load %arg7[%get3A_170] {strides = array<i32>} : memref<8192xi32, #tpu.memory_space<vmem>>, vector<16xi32>,
    %get3A_172 = vector.shape_cast %get3A_171 : vector<16xi32> to vector<16xi32>
    %get3A_173 = arith.constant 80 : index
    %get3A_174 = tpu.vector_load %arg8[%get3A_173] {strides = array<i32>} : memref<8192xi32, #tpu.memory_space<vmem>>, vector<16xi32>,
    %get3A_175 = vector.shape_cast %get3A_174 : vector<16xi32> to vector<16xi32>
    %get3A_176 = arith.constant 80 : index
    %get3A_177 = tpu.vector_load %arg9[%get3A_176] {strides = array<i32>} : memref<8192xi32, #tpu.memory_space<vmem>>, vector<16xi32>,
    %get3A_178 = vector.shape_cast %get3A_177 : vector<16xi32> to vector<16xi32>
    %add3A_179 = arith.constant 5 : i32
    %add3A_180 = vector.broadcast %add3A_179 : i32 to vector<16xi32>
    %add3A_181 = arith.addi %get3A_178, %add3A_180 : vector<16xi32>
    %jit3A_182 = arith.constant 0 : i32
    %jit3A_183 = arith.constant 10 : i32
    %max3A_184 = vector.broadcast %jit3A_182 : i32 to vector<16xi32>
    %max3A_185 = arith.maxsi %max3A_184, %add3A_181 : vector<16xi32>
    %min3A_186 = vector.broadcast %jit3A_183 : i32 to vector<16xi32>
    %min3A_187 = arith.minsi %min3A_186, %max3A_185 : vector<16xi32>
    %mul3A_188 = arith.constant 55 : i32
    %mul3A_189 = vector.broadcast %mul3A_188 : i32 to vector<16xi32>
    %mul3A_190 = arith.muli %get3A_172, %mul3A_189 : vector<16xi32>
    %mul3A_191 = arith.constant 11 : i32
    %mul3A_192 = vector.broadcast %mul3A_191 : i32 to vector<16xi32>
    %mul3A_193 = arith.muli %get3A_175, %mul3A_192 : vector<16xi32>
    %add3A_194 = arith.addi %mul3A_190, %mul3A_193 : vector<16xi32>
    %add3A_195 = arith.addi %add3A_194, %min3A_187 : vector<16xi32>
    %swap3A_196 = arith.constant 1 : i32
    %swap3A_197 = arith.index_cast %swap3A_196 : i32 to index
    %swap3A_198 = arith.constant 16 : index
    %swap3A_199 = tpu.vector_load %arg10[%swap3A_197, %swap3A_198] {strides = array<i32>} : memref<128x64xi32, #tpu.memory_space<vmem>>, vector<1x16xi32>,
    %swap3A_200 = vector.shape_cast %swap3A_199 : vector<1x16xi32> to vector<16xi32>
    %swap3A_201 = vector.shape_cast %add3A_195 : vector<16xi32> to vector<1x16xi32>
    tpu.vector_store %arg10[%swap3A_197, %swap3A_198], %swap3A_201 {strides = array<i32>} : memref<128x64xi32, #tpu.memory_space<vmem>>, vector<1x16xi32>,
    %get3A_202 = arith.constant 96 : index
    %get3A_203 = tpu.vector_load %arg7[%get3A_202] {strides = array<i32>} : memref<8192xi32, #tpu.memory_space<vmem>>, vector<16xi32>,
    %get3A_204 = vector.shape_cast %get3A_203 : vector<16xi32> to vector<16xi32>
    %get3A_205 = arith.constant 96 : index
    %get3A_206 = tpu.vector_load %arg8[%get3A_205] {strides = array<i32>} : memref<8192xi32, #tpu.memory_space<vmem>>, vector<16xi32>,
    %get3A_207 = vector.shape_cast %get3A_206 : vector<16xi32> to vector<16xi32>
    %get3A_208 = arith.constant 96 : index
    %get3A_209 = tpu.vector_load %arg9[%get3A_208] {strides = array<i32>} : memref<8192xi32, #tpu.memory_space<vmem>>, vector<16xi32>,
    %get3A_210 = vector.shape_cast %get3A_209 : vector<16xi32> to vector<16xi32>
    %add3A_211 = arith.constant 5 : i32
    %add3A_212 = vector.broadcast %add3A_211 : i32 to vector<16xi32>
    %add3A_213 = arith.addi %get3A_210, %add3A_212 : vector<16xi32>
    %jit3A_214 = arith.constant 0 : i32
    %jit3A_215 = arith.constant 10 : i32
    %max3A_216 = vector.broadcast %jit3A_214 : i32 to vector<16xi32>
    %max3A_217 = arith.maxsi %max3A_216, %add3A_213 : vector<16xi32>
    %min3A_218 = vector.broadcast %jit3A_215 : i32 to vector<16xi32>
    %min3A_219 = arith.minsi %min3A_218, %max3A_217 : vector<16xi32>
    %mul3A_220 = arith.constant 55 : i32
    %mul3A_221 = vector.broadcast %mul3A_220 : i32 to vector<16xi32>
    %mul3A_222 = arith.muli %get3A_204, %mul3A_221 : vector<16xi32>
    %mul3A_223 = arith.constant 11 : i32
    %mul3A_224 = vector.broadcast %mul3A_223 : i32 to vector<16xi32>
    %mul3A_225 = arith.muli %get3A_207, %mul3A_224 : vector<16xi32>
    %add3A_226 = arith.addi %mul3A_222, %mul3A_225 : vector<16xi32>
    %add3A_227 = arith.addi %add3A_226, %min3A_219 : vector<16xi32>
    %swap3A_228 = arith.constant 1 : i32
    %swap3A_229 = arith.index_cast %swap3A_228 : i32 to index
    %swap3A_230 = arith.constant 32 : index
    %swap3A_231 = tpu.vector_load %arg10[%swap3A_229, %swap3A_230] {strides = array<i32>} : memref<128x64xi32, #tpu.memory_space<vmem>>, vector<1x16xi32>,
    %swap3A_232 = vector.shape_cast %swap3A_231 : vector<1x16xi32> to vector<16xi32>
    %swap3A_233 = vector.shape_cast %add3A_227 : vector<16xi32> to vector<1x16xi32>
    tpu.vector_store %arg10[%swap3A_229, %swap3A_230], %swap3A_233 {strides = array<i32>} : memref<128x64xi32, #tpu.memory_space<vmem>>, vector<1x16xi32>,
    %get3A_234 = arith.constant 112 : index
    %get3A_235 = tpu.vector_load %arg7[%get3A_234] {strides = array<i32>} : memref<8192xi32, #tpu.memory_space<vmem>>, vector<16xi32>,
    %get3A_236 = vector.shape_cast %get3A_235 : vector<16xi32> to vector<16xi32>
    %get3A_237 = arith.constant 112 : index
    %get3A_238 = tpu.vector_load %arg8[%get3A_237] {strides = array<i32>} : memref<8192xi32, #tpu.memory_space<vmem>>, vector<16xi32>,
    %get3A_239 = vector.shape_cast %get3A_238 : vector<16xi32> to vector<16xi32>
    %get3A_240 = arith.constant 112 : index
    %get3A_241 = tpu.vector_load %arg9[%get3A_240] {strides = array<i32>} : memref<8192xi32, #tpu.memory_space<vmem>>, vector<16xi32>,
    %get3A_242 = vector.shape_cast %get3A_241 : vector<16xi32> to vector<16xi32>
    %add3A_243 = arith.constant 5 : i32
    %add3A_244 = vector.broadcast %add3A_243 : i32 to vector<16xi32>
    %add3A_245 = arith.addi %get3A_242, %add3A_244 : vector<16xi32>
    %jit3A_246 = arith.constant 0 : i32
    %jit3A_247 = arith.constant 10 : i32
    %max3A_248 = vector.broadcast %jit3A_246 : i32 to vector<16xi32>
    %max3A_249 = arith.maxsi %max3A_248, %add3A_245 : vector<16xi32>
    %min3A_250 = vector.broadcast %jit3A_247 : i32 to vector<16xi32>
    %min3A_251 = arith.minsi %min3A_250, %max3A_249 : vector<16xi32>
    %mul3A_252 = arith.constant 55 : i32
    %mul3A_253 = vector.broadcast %mul3A_252 : i32 to vector<16xi32>
    %mul3A_254 = arith.muli %get3A_236, %mul3A_253 : vector<16xi32>
    %mul3A_255 = arith.constant 11 : i32
    %mul3A_256 = vector.broadcast %mul3A_255 : i32 to vector<16xi32>
    %mul3A_257 = arith.muli %get3A_239, %mul3A_256 : vector<16xi32>
    %add3A_258 = arith.addi %mul3A_254, %mul3A_257 : vector<16xi32>
    %add3A_259 = arith.addi %add3A_258, %min3A_251 : vector<16xi32>
    %swap3A_260 = arith.constant 1 : i32
    %swap3A_261 = arith.index_cast %swap3A_260 : i32 to index
    %swap3A_262 = arith.constant 48 : index
    %swap3A_263 = tpu.vector_load %arg10[%swap3A_261, %swap3A_262] {strides = array<i32>} : memref<128x64xi32, #tpu.memory_space<vmem>>, vector<1x16xi32>,
    %swap3A_264 = vector.shape_cast %swap3A_263 : vector<1x16xi32> to vector<16xi32>
    %swap3A_265 = vector.shape_cast %add3A_259 : vector<16xi32> to vector<1x16xi32>
    tpu.vector_store %arg10[%swap3A_261, %swap3A_262], %swap3A_265 {strides = array<i32>} : memref<128x64xi32, #tpu.memory_space<vmem>>, vector<1x16xi32>,
    %get3A_266 = arith.constant 128 : index
    %get3A_267 = tpu.vector_load %arg7[%get3A_266] {strides = array<i32>} : memref<8192xi32, #tpu.memory_space<vmem>>, vector<16xi32>,
    %get3A_268 = vector.shape_cast %get3A_267 : vector<16xi32> to vector<16xi32>
    %get3A_269 = arith.constant 128 : index
    %get3A_270 = tpu.vector_load %arg8[%get3A_269] {strides = array<i32>} : memref<8192xi32, #tpu.memory_space<vmem>>, vector<16xi32>,
    %get3A_271 = vector.shape_cast %get3A_270 : vector<16xi32> to vector<16xi32>
    %get3A_272 = arith.constant 128 : index
    %get3A_273 = tpu.vector_load %arg9[%get3A_272] {strides = array<i32>} : memref<8192xi32, #tpu.memory_space<vmem>>, vector<16xi32>,
    %get3A_274 = vector.shape_cast %get3A_273 : vector<16xi32> to vector<16xi32>
    %add3A_275 = arith.constant 5 : i32
    %add3A_276 = vector.broadcast %add3A_275 : i32 to vector<16xi32>
    %add3A_277 = arith.addi %get3A_274, %add3A_276 : vector<16xi32>
    %jit3A_278 = arith.constant 0 : i32
    %jit3A_279 = arith.constant 10 : i32
    %max3A_280 = vector.broadcast %jit3A_278 : i32 to vector<16xi32>
    %max3A_281 = arith.maxsi %max3A_280, %add3A_277 : vector<16xi32>
    %min3A_282 = vector.broadcast %jit3A_279 : i32 to vector<16xi32>
    %min3A_283 = arith.minsi %min3A_282, %max3A_281 : vector<16xi32>
    %mul3A_284 = arith.constant 55 : i32
    %mul3A_285 = vector.broadcast %mul3A_284 : i32 to vector<16xi32>
    %mul3A_286 = arith.muli %get3A_268, %mul3A_285 : vector<16xi32>
    %mul3A_287 = arith.constant 11 : i32
    %mul3A_288 = vector.broadcast %mul3A_287 : i32 to vector<16xi32>
    %mul3A_289 = arith.muli %get3A_271, %mul3A_288 : vector<16xi32>
    %add3A_290 = arith.addi %mul3A_286, %mul3A_289 : vector<16xi32>
    %add3A_291 = arith.addi %add3A_290, %min3A_283 : vector<16xi32>
    %swap3A_292 = arith.constant 2 : i32
    %swap3A_293 = arith.index_cast %swap3A_292 : i32 to index
    %swap3A_294 = arith.constant 0 : index
    %swap3A_295 = tpu.vector_load %arg10[%swap3A_293, %swap3A_294] {strides = array<i32>} : memref<128x64xi32, #tpu.memory_space<vmem>>, vector<1x16xi32>,
    %swap3A_296 = vector.shape_cast %swap3A_295 : vector<1x16xi32> to vector<16xi32>
    %swap3A_297 = vector.shape_cast %add3A_291 : vector<16xi32> to vector<1x16xi32>
    tpu.vector_store %arg10[%swap3A_293, %swap3A_294], %swap3A_297 {strides = array<i32>} : memref<128x64xi32, #tpu.memory_space<vmem>>, vector<1x16xi32>,
    %get3A_298 = arith.constant 144 : index
    %get3A_299 = tpu.vector_load %arg7[%get3A_298] {strides = array<i32>} : memref<8192xi32, #tpu.memory_space<vmem>>, vector<16xi32>,
    %get3A_300 = vector.shape_cast %get3A_299 : vector<16xi32> to vector<16xi32>
    %get3A_301 = arith.constant 144 : index
    %get3A_302 = tpu.vector_load %arg8[%get3A_301] {strides = array<i32>} : memref<8192xi32, #tpu.memory_space<vmem>>, vector<16xi32>,
    %get3A_303 = vector.shape_cast %get3A_302 : vector<16xi32> to vector<16xi32>
    %get3A_304 = arith.constant 144 : index
    %get3A_305 = tpu.vector_load %arg9[%get3A_304] {strides = array<i32>} : memref<8192xi32, #tpu.memory_space<vmem>>, vector<16xi32>,
    %get3A_306 = vector.shape_cast %get3A_305 : vector<16xi32> to vector<16xi32>
    %add3A_307 = arith.constant 5 : i32
    %add3A_308 = vector.broadcast %add3A_307 : i32 to vector<16xi32>
    %add3A_309 = arith.addi %get3A_306, %add3A_308 : vector<16xi32>
    %jit3A_310 = arith.constant 0 : i32
    %jit3A_311 = arith.constant 10 : i32
    %max3A_312 = vector.broadcast %jit3A_310 : i32 to vector<16xi32>
    %max3A_313 = arith.maxsi %max3A_312, %add3A_309 : vector<16xi32>
    %min3A_314 = vector.broadcast %jit3A_311 : i32 to vector<16xi32>
    %min3A_315 = arith.minsi %min3A_314, %max3A_313 : vector<16xi32>
    %mul3A_316 = arith.constant 55 : i32
    %mul3A_317 = vector.broadcast %mul3A_316 : i32 to vector<16xi32>
    %mul3A_318 = arith.muli %get3A_300, %mul3A_317 : vector<16xi32>
    %mul3A_319 = arith.constant 11 : i32
    %mul3A_320 = vector.broadcast %mul3A_319 : i32 to vector<16xi32>
    %mul3A_321 = arith.muli %get3A_303, %mul3A_320 : vector<16xi32>
    %add3A_322 = arith.addi %mul3A_318, %mul3A_321 : vector<16xi32>
    %add3A_323 = arith.addi %add3A_322, %min3A_315 : vector<16xi32>
    %swap3A_324 = arith.constant 2 : i32
    %swap3A_325 = arith.index_cast %swap3A_324 : i32 to index
    %swap3A_326 = arith.constant 16 : index
    %swap3A_327 = tpu.vector_load %arg10[%swap3A_325, %swap3A_326] {strides = array<i32>} : memref<128x64xi32, #tpu.memory_space<vmem>>, vector<1x16xi32>,
    %swap3A_328 = vector.shape_cast %swap3A_327 : vector<1x16xi32> to vector<16xi32>
    %swap3A_329 = vector.shape_cast %add3A_323 : vector<16xi32> to vector<1x16xi32>
    tpu.vector_store %arg10[%swap3A_325, %swap3A_326], %swap3A_329 {strides = array<i32>} : memref<128x64xi32, #tpu.memory_space<vmem>>, vector<1x16xi32>,
    %get3A_330 = arith.constant 160 : index
    %get3A_331 = tpu.vector_load %arg7[%get3A_330] {strides = array<i32>} : memref<8192xi32, #tpu.memory_space<vmem>>, vector<16xi32>,
    %get3A_332 = vector.shape_cast %get3A_331 : vector<16xi32> to vector<16xi32>
    %get3A_333 = arith.constant 160 : index
    %get3A_334 = tpu.vector_load %arg8[%get3A_333] {strides = array<i32>} : memref<8192xi32, #tpu.memory_space<vmem>>, vector<16xi32>,
    %get3A_335 = vector.shape_cast %get3A_334 : vector<16xi32> to vector<16xi32>
    %get3A_336 = arith.constant 160 : index
    %get3A_337 = tpu.vector_load %arg9[%get3A_336] {strides = array<i32>} : memref<8192xi32, #tpu.memory_space<vmem>>, vector<16xi32>,
    %get3A_338 = vector.shape_cast %get3A_337 : vector<16xi32> to vector<16xi32>
    %add3A_339 = arith.constant 5 : i32
    %add3A_340 = vector.broadcast %add3A_339 : i32 to vector<16xi32>
    %add3A_341 = arith.addi %get3A_338, %add3A_340 : vector<16xi32>
    %jit3A_342 = arith.constant 0 : i32
    %jit3A_343 = arith.constant 10 : i32
    %max3A_344 = vector.broadcast %jit3A_342 : i32 to vector<16xi32>
    %max3A_345 = arith.maxsi %max3A_344, %add3A_341 : vector<16xi32>
    %min3A_346 = vector.broadcast %jit3A_343 : i32 to vector<16xi32>
    %min3A_347 = arith.minsi %min3A_346, %max3A_345 : vector<16xi32>
    %mul3A_348 = arith.constant 55 : i32
    %mul3A_349 = vector.broadcast %mul3A_348 : i32 to vector<16xi32>
    %mul3A_350 = arith.muli %get3A_332, %mul3A_349 : vector<16xi32>
    %mul3A_351 = arith.constant 11 : i32
    %mul3A_352 = vector.broadcast %mul3A_351 : i32 to vector<16xi32>
    %mul3A_353 = arith.muli %get3A_335, %mul3A_352 : vector<16xi32>
    %add3A_354 = arith.addi %mul3A_350, %mul3A_353 : vector<16xi32>
    %add3A_355 = arith.addi %add3A_354, %min3A_347 : vector<16xi32>
    %swap3A_356 = arith.constant 2 : i32
    %swap3A_357 = arith.index_cast %swap3A_356 : i32 to index
    %swap3A_358 = arith.constant 32 : index
    %swap3A_359 = tpu.vector_load %arg10[%swap3A_357, %swap3A_358] {strides = array<i32>} : memref<128x64xi32, #tpu.memory_space<vmem>>, vector<1x16xi32>,
    %swap3A_360 = vector.shape_cast %swap3A_359 : vector<1x16xi32> to vector<16xi32>
    %swap3A_361 = vector.shape_cast %add3A_355 : vector<16xi32> to vector<1x16xi32>
    tpu.vector_store %arg10[%swap3A_357, %swap3A_358], %swap3A_361 {strides = array<i32>} : memref<128x64xi32, #tpu.memory_space<vmem>>, vector<1x16xi32>,
    %get3A_362 = arith.constant 176 : index
    %get3A_363 = tpu.vector_load %arg7[%get3A_362] {strides = array<i32>} : memref<8192xi32, #tpu.memory_space<vmem>>, vector<16xi32>,
    %get3A_364 = vector.shape_cast %get3A_363 : vector<16xi32> to vector<16xi32>
    %get3A_365 = arith.constant 176 : index
    %get3A_366 = tpu.vector_load %arg8[%get3A_365] {strides = array<i32>} : memref<8192xi32, #tpu.memory_space<vmem>>, vector<16xi32>,
    %get3A_367 = vector.shape_cast %get3A_366 : vector<16xi32> to vector<16xi32>
    %get3A_368 = arith.constant 176 : index
    %get3A_369 = tpu.vector_load %arg9[%get3A_368] {strides = array<i32>} : memref<8192xi32, #tpu.memory_space<vmem>>, vector<16xi32>,
    %get3A_370 = vector.shape_cast %get3A_369 : vector<16xi32> to vector<16xi32>
    %add3A_371 = arith.constant 5 : i32
    %add3A_372 = vector.broadcast %add3A_371 : i32 to vector<16xi32>
    %add3A_373 = arith.addi %get3A_370, %add3A_372 : vector<16xi32>
    %jit3A_374 = arith.constant 0 : i32
    %jit3A_375 = arith.constant 10 : i32
    %max3A_376 = vector.broadcast %jit3A_374 : i32 to vector<16xi32>
    %max3A_377 = arith.maxsi %max3A_376, %add3A_373 : vector<16xi32>
    %min3A_378 = vector.broadcast %jit3A_375 : i32 to vector<16xi32>
    %min3A_379 = arith.minsi %min3A_378, %max3A_377 : vector<16xi32>
    %mul3A_380 = arith.constant 55 : i32
    %mul3A_381 = vector.broadcast %mul3A_380 : i32 to vector<16xi32>
    %mul3A_382 = arith.muli %get3A_364, %mul3A_381 : vector<16xi32>
    %mul3A_383 = arith.constant 11 : i32
    %mul3A_384 = vector.broadcast %mul3A_383 : i32 to vector<16xi32>
    %mul3A_385 = arith.muli %get3A_367, %mul3A_384 : vector<16xi32>
    %add3A_386 = arith.addi %mul3A_382, %mul3A_385 : vector<16xi32>
    %add3A_387 = arith.addi %add3A_386, %min3A_379 : vector<16xi32>
    %swap3A_388 = arith.constant 2 : i32
    %swap3A_389 = arith.index_cast %swap3A_388 : i32 to index
    %swap3A_390 = arith.constant 48 : index
    %swap3A_391 = tpu.vector_load %arg10[%swap3A_389, %swap3A_390] {strides = array<i32>} : memref<128x64xi32, #tpu.memory_space<vmem>>, vector<1x16xi32>,
    %swap3A_392 = vector.shape_cast %swap3A_391 : vector<1x16xi32> to vector<16xi32>
    %swap3A_393 = vector.shape_cast %add3A_387 : vector<16xi32> to vector<1x16xi32>
    tpu.vector_store %arg10[%swap3A_389, %swap3A_390], %swap3A_393 {strides = array<i32>} : memref<128x64xi32, #tpu.memory_space<vmem>>, vector<1x16xi32>,
    %get3A_394 = arith.constant 192 : index
    %get3A_395 = tpu.vector_load %arg7[%get3A_394] {strides = array<i32>} : memref<8192xi32, #tpu.memory_space<vmem>>, vector<16xi32>,
    %get3A_396 = vector.shape_cast %get3A_395 : vector<16xi32> to vector<16xi32>
    %get3A_397 = arith.constant 192 : index
    %get3A_398 = tpu.vector_load %arg8[%get3A_397] {strides = array<i32>} : memref<8192xi32, #tpu.memory_space<vmem>>, vector<16xi32>,
    %get3A_399 = vector.shape_cast %get3A_398 : vector<16xi32> to vector<16xi32>
    %get3A_400 = arith.constant 192 : index
    %get3A_401 = tpu.vector_load %arg9[%get3A_400] {strides = array<i32>} : memref<8192xi32, #tpu.memory_space<vmem>>, vector<16xi32>,
    %get3A_402 = vector.shape_cast %get3A_401 : vector<16xi32> to vector<16xi32>
    %add3A_403 = arith.constant 5 : i32
    %add3A_404 = vector.broadcast %add3A_403 : i32 to vector<16xi32>
    %add3A_405 = arith.addi %get3A_402, %add3A_404 : vector<16xi32>
    %jit3A_406 = arith.constant 0 : i32
    %jit3A_407 = arith.constant 10 : i32
    %max3A_408 = vector.broadcast %jit3A_406 : i32 to vector<16xi32>
    %max3A_409 = arith.maxsi %max3A_408, %add3A_405 : vector<16xi32>
    %min3A_410 = vector.broadcast %jit3A_407 : i32 to vector<16xi32>
    %min3A_411 = arith.minsi %min3A_410, %max3A_409 : vector<16xi32>
    %mul3A_412 = arith.constant 55 : i32
    %mul3A_413 = vector.broadcast %mul3A_412 : i32 to vector<16xi32>
    %mul3A_414 = arith.muli %get3A_396, %mul3A_413 : vector<16xi32>
    %mul3A_415 = arith.constant 11 : i32
    %mul3A_416 = vector.broadcast %mul3A_415 : i32 to vector<16xi32>
    %mul3A_417 = arith.muli %get3A_399, %mul3A_416 : vector<16xi32>
    %add3A_418 = arith.addi %mul3A_414, %mul3A_417 : vector<16xi32>
    %add3A_419 = arith.addi %add3A_418, %min3A_411 : vector<16xi32>
    %swap3A_420 = arith.constant 3 : i32
    %swap3A_421 = arith.index_cast %swap3A_420 : i32 to index
    %swap3A_422 = arith.constant 0 : index
    %swap3A_423 = tpu.vector_load %arg10[%swap3A_421, %swap3A_422] {strides = array<i32>} : memref<128x64xi32, #tpu.memory_space<vmem>>, vector<1x16xi32>,
    %swap3A_424 = vector.shape_cast %swap3A_423 : vector<1x16xi32> to vector<16xi32>
    %swap3A_425 = vector.shape_cast %add3A_419 : vector<16xi32> to vector<1x16xi32>
    tpu.vector_store %arg10[%swap3A_421, %swap3A_422], %swap3A_425 {strides = array<i32>} : memref<128x64xi32, #tpu.memory_space<vmem>>, vector<1x16xi32>,
    %get3A_426 = arith.constant 208 : index
    %get3A_427 = tpu.vector_load %arg7[%get3A_426] {strides = array<i32>} : memref<8192xi32, #tpu.memory_space<vmem>>, vector<16xi32>,
    %get3A_428 = vector.shape_cast %get3A_427 : vector<16xi32> to vector<16xi32>
    %get3A_429 = arith.constant 208 : index
    %get3A_430 = tpu.vector_load %arg8[%get3A_429] {strides = array<i32>} : memref<8192xi32, #tpu.memory_space<vmem>>, vector<16xi32>,
    %get3A_431 = vector.shape_cast %get3A_430 : vector<16xi32> to vector<16xi32>
    %get3A_432 = arith.constant 208 : index
    %get3A_433 = tpu.vector_load %arg9[%get3A_432] {strides = array<i32>} : memref<8192xi32, #tpu.memory_space<vmem>>, vector<16xi32>,
    %get3A_434 = vector.shape_cast %get3A_433 : vector<16xi32> to vector<16xi32>
    %add3A_435 = arith.constant 5 : i32
    %add3A_436 = vector.broadcast %add3A_435 : i32 to vector<16xi32>
    %add3A_437 = arith.addi %get3A_434, %add3A_436 : vector<16xi32>
    %jit3A_438 = arith.constant 0 : i32
    %jit3A_439 = arith.constant 10 : i32
    %max3A_440 = vector.broadcast %jit3A_438 : i32 to vector<16xi32>
    %max3A_441 = arith.maxsi %max3A_440, %add3A_437 : vector<16xi32>
    %min3A_442 = vector.broadcast %jit3A_439 : i32 to vector<16xi32>
    %min3A_443 = arith.minsi %min3A_442, %max3A_441 : vector<16xi32>
    %mul3A_444 = arith.constant 55 : i32
    %mul3A_445 = vector.broadcast %mul3A_444 : i32 to vector<16xi32>
    %mul3A_446 = arith.muli %get3A_428, %mul3A_445 : vector<16xi32>
    %mul3A_447 = arith.constant 11 : i32
    %mul3A_448 = vector.broadcast %mul3A_447 : i32 to vector<16xi32>
    %mul3A_449 = arith.muli %get3A_431, %mul3A_448 : vector<16xi32>
    %add3A_450 = arith.addi %mul3A_446, %mul3A_449 : vector<16xi32>
    %add3A_451 = arith.addi %add3A_450, %min3A_443 : vector<16xi32>
    %swap3A_452 = arith.constant 3 : i32
    %swap3A_453 = arith.index_cast %swap3A_452 : i32 to index
    %swap3A_454 = arith.constant 16 : index
    %swap3A_455 = tpu.vector_load %arg10[%swap3A_453, %swap3A_454] {strides = array<i32>} : memref<128x64xi32, #tpu.memory_space<vmem>>, vector<1x16xi32>,
    %swap3A_456 = vector.shape_cast %swap3A_455 : vector<1x16xi32> to vector<16xi32>
    %swap3A_457 = vector.shape_cast %add3A_451 : vector<16xi32> to vector<1x16xi32>
    tpu.vector_store %arg10[%swap3A_453, %swap3A_454], %swap3A_457 {strides = array<i32>} : memref<128x64xi32, #tpu.memory_space<vmem>>, vector<1x16xi32>,
    %get3A_458 = arith.constant 224 : index
    %get3A_459 = tpu.vector_load %arg7[%get3A_458] {strides = array<i32>} : memref<8192xi32, #tpu.memory_space<vmem>>, vector<16xi32>,
    %get3A_460 = vector.shape_cast %get3A_459 : vector<16xi32> to vector<16xi32>
    %get3A_461 = arith.constant 224 : index
    %get3A_462 = tpu.vector_load %arg8[%get3A_461] {strides = array<i32>} : memref<8192xi32, #tpu.memory_space<vmem>>, vector<16xi32>,
    %get3A_463 = vector.shape_cast %get3A_462 : vector<16xi32> to vector<16xi32>
    %get3A_464 = arith.constant 224 : index
    %get3A_465 = tpu.vector_load %arg9[%get3A_464] {strides = array<i32>} : memref<8192xi32, #tpu.memory_space<vmem>>, vector<16xi32>,
    %get3A_466 = vector.shape_cast %get3A_465 : vector<16xi32> to vector<16xi32>
    %add3A_467 = arith.constant 5 : i32
    %add3A_468 = vector.broadcast %add3A_467 : i32 to vector<16xi32>
    %add3A_469 = arith.addi %get3A_466, %add3A_468 : vector<16xi32>
    %jit3A_470 = arith.constant 0 : i32
    %jit3A_471 = arith.constant 10 : i32
    %max3A_472 = vector.broadcast %jit3A_470 : i32 to vector<16xi32>
    %max3A_473 = arith.maxsi %max3A_472, %add3A_469 : vector<16xi32>
    %min3A_474 = vector.broadcast %jit3A_471 : i32 to vector<16xi32>
    %min3A_475 = arith.minsi %min3A_474, %max3A_473 : vector<16xi32>
    %mul3A_476 = arith.constant 55 : i32
    %mul3A_477 = vector.broadcast %mul3A_476 : i32 to vector<16xi32>
    %mul3A_478 = arith.muli %get3A_460, %mul3A_477 : vector<16xi32>
    %mul3A_479 = arith.constant 11 : i32
    %mul3A_480 = vector.broadcast %mul3A_479 : i32 to vector<16xi32>
    %mul3A_481 = arith.muli %get3A_463, %mul3A_480 : vector<16xi32>
    %add3A_482 = arith.addi %mul3A_478, %mul3A_481 : vector<16xi32>
    %add3A_483 = arith.addi %add3A_482, %min3A_475 : vector<16xi32>
    %swap3A_484 = arith.constant 3 : i32
    %swap3A_485 = arith.index_cast %swap3A_484 : i32 to index
    %swap3A_486 = arith.constant 32 : index
    %swap3A_487 = tpu.vector_load %arg10[%swap3A_485, %swap3A_486] {strides = array<i32>} : memref<128x64xi32, #tpu.memory_space<vmem>>, vector<1x16xi32>,
    %swap3A_488 = vector.shape_cast %swap3A_487 : vector<1x16xi32> to vector<16xi32>
    %swap3A_489 = vector.shape_cast %add3A_483 : vector<16xi32> to vector<1x16xi32>
    tpu.vector_store %arg10[%swap3A_485, %swap3A_486], %swap3A_489 {strides = array<i32>} : memref<128x64xi32, #tpu.memory_space<vmem>>, vector<1x16xi32>,
    %get3A_490 = arith.constant 240 : index
    %get3A_491 = tpu.vector_load %arg7[%get3A_490] {strides = array<i32>} : memref<8192xi32, #tpu.memory_space<vmem>>, vector<16xi32>,
    %get3A_492 = vector.shape_cast %get3A_491 : vector<16xi32> to vector<16xi32>
    %get3A_493 = arith.constant 240 : index
    %get3A_494 = tpu.vector_load %arg8[%get3A_493] {strides = array<i32>} : memref<8192xi32, #tpu.memory_space<vmem>>, vector<16xi32>,
    %get3A_495 = vector.shape_cast %get3A_494 : vector<16xi32> to vector<16xi32>
    %get3A_496 = arith.constant 240 : index
    %get3A_497 = tpu.vector_load %arg9[%get3A_496] {strides = array<i32>} : memref<8192xi32, #tpu.memory_space<vmem>>, vector<16xi32>,
    %get3A_498 = vector.shape_cast %get3A_497 : vector<16xi32> to vector<16xi32>
    %add3A_499 = arith.constant 5 : i32
    %add3A_500 = vector.broadcast %add3A_499 : i32 to vector<16xi32>
    %add3A_501 = arith.addi %get3A_498, %add3A_500 : vector<16xi32>
    %jit3A_502 = arith.constant 0 : i32
    %jit3A_503 = arith.constant 10 : i32
    %max3A_504 = vector.broadcast %jit3A_502 : i32 to vector<16xi32>
    %max3A_505 = arith.maxsi %max3A_504, %add3A_501 : vector<16xi32>
    %min3A_506 = vector.broadcast %jit3A_503 : i32 to vector<16xi32>
    %min3A_507 = arith.minsi %min3A_506, %max3A_505 : vector<16xi32>
    %mul3A_508 = arith.constant 55 : i32
    %mul3A_509 = vector.broadcast %mul3A_508 : i32 to vector<16xi32>
    %mul3A_510 = arith.muli %get3A_492, %mul3A_509 : vector<16xi32>
    %mul3A_511 = arith.constant 11 : i32
    %mul3A_512 = vector.broadcast %mul3A_511 : i32 to vector<16xi32>
    %mul3A_513 = arith.muli %get3A_495, %mul3A_512 : vector<16xi32>
    %add3A_514 = arith.addi %mul3A_510, %mul3A_513 : vector<16xi32>
    %add3A_515 = arith.addi %add3A_514, %min3A_507 : vector<16xi32>
    %swap3A_516 = arith.constant 3 : i32
    %swap3A_517 = arith.index_cast %swap3A_516 : i32 to index
    %swap3A_518 = arith.constant 48 : index
    %swap3A_519 = tpu.vector_load %arg10[%swap3A_517, %swap3A_518] {strides = array<i32>} : memref<128x64xi32, #tpu.memory_space<vmem>>, vector<1x16xi32>,
    %swap3A_520 = vector.shape_cast %swap3A_519 : vector<1x16xi32> to vector<16xi32>
    %swap3A_521 = vector.shape_cast %add3A_515 : vector<16xi32> to vector<1x16xi32>
    tpu.vector_store %arg10[%swap3A_517, %swap3A_518], %swap3A_521 {strides = array<i32>} : memref<128x64xi32, #tpu.memory_space<vmem>>, vector<1x16xi32>,
    %barrier3A = arith.constant 0 : index
    tpu.barrier barrier_id(%barrier3A)
    %dma_start3A_522 = arith.constant 0 : i32
    %dma_start3A_523 = arith.constant 0 : i32
    %dma_start3A_524 = arith.constant 0 : i32
    %dma_start3A_525 = arith.constant 0 : i32
    %dma_start3A_526 = tpu.memref_slice %arg11[%dma_start3A_523, %dma_start3A_524, %dma_start3A_525] : memref<4x64x128xf32, #tpu.memory_space<vmem>> -> memref<1x64x128xf32, #tpu.memory_space<vmem>>
    %dma_start3A_527 = tpu.memref_squeeze %dma_start3A_526 : memref<1x64x128xf32, #tpu.memory_space<vmem>> -> memref<64x128xf32, #tpu.memory_space<vmem>>
    %dma_start3A_528 = arith.constant 0 : i32
    %dma_start3A_529 = tpu.memref_slice %arg10[%dma_start3A_522, %dma_start3A_528] : memref<128x64xi32, #tpu.memory_space<vmem>> -> memref<1x64xi32, #tpu.memory_space<vmem>>
    %dma_start3A_530 = tpu.memref_squeeze %dma_start3A_529 : memref<1x64xi32, #tpu.memory_space<vmem>> -> memref<64xi32, #tpu.memory_space<vmem>>
    %dma_start3A_531 = arith.constant 0 : i32
    %dma_start3A_532 = arith.constant 0 : i32
    %dma_start3A_533 = tpu.memref_slice %arg12[%dma_start3A_531, %dma_start3A_532] : memref<1265x128xf32, #tpu.memory_space<vmem_shared>> -> memref<1265x128xf32, #tpu.memory_space<vmem_shared>>
    tpu.enqueue_indirect_dma source(%dma_start3A_533 : memref<1265x128xf32, #tpu.memory_space<vmem_shared>>) target(%dma_start3A_527 : memref<64x128xf32, #tpu.memory_space<vmem>>) offsets(%dma_start3A_530 : memref<64xi32, #tpu.memory_space<vmem>>) semaphore(%arg13 : memref<!tpu.dma_semaphore, #tpu.memory_space<semaphore_mem>>)
    %dma_start3A_534 = arith.constant 1 : i32
    %dma_start3A_535 = arith.constant 1 : i32
    %dma_start3A_536 = arith.constant 0 : i32
    %dma_start3A_537 = arith.constant 0 : i32
    %dma_start3A_538 = tpu.memref_slice %arg11[%dma_start3A_535, %dma_start3A_536, %dma_start3A_537] : memref<4x64x128xf32, #tpu.memory_space<vmem>> -> memref<1x64x128xf32, #tpu.memory_space<vmem>>
    %dma_start3A_539 = tpu.memref_squeeze %dma_start3A_538 : memref<1x64x128xf32, #tpu.memory_space<vmem>> -> memref<64x128xf32, #tpu.memory_space<vmem>>
    %dma_start3A_540 = arith.constant 0 : i32
    %dma_start3A_541 = tpu.memref_slice %arg10[%dma_start3A_534, %dma_start3A_540] : memref<128x64xi32, #tpu.memory_space<vmem>> -> memref<1x64xi32, #tpu.memory_space<vmem>>
    %dma_start3A_542 = tpu.memref_squeeze %dma_start3A_541 : memref<1x64xi32, #tpu.memory_space<vmem>> -> memref<64xi32, #tpu.memory_space<vmem>>
    %dma_start3A_543 = arith.constant 0 : i32
    %dma_start3A_544 = arith.constant 0 : i32
    %dma_start3A_545 = tpu.memref_slice %arg12[%dma_start3A_543, %dma_start3A_544] : memref<1265x128xf32, #tpu.memory_space<vmem_shared>> -> memref<1265x128xf32, #tpu.memory_space<vmem_shared>>
    tpu.enqueue_indirect_dma source(%dma_start3A_545 : memref<1265x128xf32, #tpu.memory_space<vmem_shared>>) target(%dma_start3A_539 : memref<64x128xf32, #tpu.memory_space<vmem>>) offsets(%dma_start3A_542 : memref<64xi32, #tpu.memory_space<vmem>>) semaphore(%arg14 : memref<!tpu.dma_semaphore, #tpu.memory_space<semaphore_mem>>)
    %dma_start3A_546 = arith.constant 2 : i32
    %dma_start3A_547 = arith.constant 2 : i32
    %dma_start3A_548 = arith.constant 0 : i32
    %dma_start3A_549 = arith.constant 0 : i32
    %dma_start3A_550 = tpu.memref_slice %arg11[%dma_start3A_547, %dma_start3A_548, %dma_start3A_549] : memref<4x64x128xf32, #tpu.memory_space<vmem>> -> memref<1x64x128xf32, #tpu.memory_space<vmem>>
    %dma_start3A_551 = tpu.memref_squeeze %dma_start3A_550 : memref<1x64x128xf32, #tpu.memory_space<vmem>> -> memref<64x128xf32, #tpu.memory_space<vmem>>
    %dma_start3A_552 = arith.constant 0 : i32
    %dma_start3A_553 = tpu.memref_slice %arg10[%dma_start3A_546, %dma_start3A_552] : memref<128x64xi32, #tpu.memory_space<vmem>> -> memref<1x64xi32, #tpu.memory_space<vmem>>
    %dma_start3A_554 = tpu.memref_squeeze %dma_start3A_553 : memref<1x64xi32, #tpu.memory_space<vmem>> -> memref<64xi32, #tpu.memory_space<vmem>>
    %dma_start3A_555 = arith.constant 0 : i32
    %dma_start3A_556 = arith.constant 0 : i32
    %dma_start3A_557 = tpu.memref_slice %arg12[%dma_start3A_555, %dma_start3A_556] : memref<1265x128xf32, #tpu.memory_space<vmem_shared>> -> memref<1265x128xf32, #tpu.memory_space<vmem_shared>>
    tpu.enqueue_indirect_dma source(%dma_start3A_557 : memref<1265x128xf32, #tpu.memory_space<vmem_shared>>) target(%dma_start3A_551 : memref<64x128xf32, #tpu.memory_space<vmem>>) offsets(%dma_start3A_554 : memref<64xi32, #tpu.memory_space<vmem>>) semaphore(%arg15 : memref<!tpu.dma_semaphore, #tpu.memory_space<semaphore_mem>>)
    %dma_start3A_558 = arith.constant 3 : i32
    %dma_start3A_559 = arith.constant 3 : i32
    %dma_start3A_560 = arith.constant 0 : i32
    %dma_start3A_561 = arith.constant 0 : i32
    %dma_start3A_562 = tpu.memref_slice %arg11[%dma_start3A_559, %dma_start3A_560, %dma_start3A_561] : memref<4x64x128xf32, #tpu.memory_space<vmem>> -> memref<1x64x128xf32, #tpu.memory_space<vmem>>
    %dma_start3A_563 = tpu.memref_squeeze %dma_start3A_562 : memref<1x64x128xf32, #tpu.memory_space<vmem>> -> memref<64x128xf32, #tpu.memory_space<vmem>>
    %dma_start3A_564 = arith.constant 0 : i32
    %dma_start3A_565 = tpu.memref_slice %arg10[%dma_start3A_558, %dma_start3A_564] : memref<128x64xi32, #tpu.memory_space<vmem>> -> memref<1x64xi32, #tpu.memory_space<vmem>>
    %dma_start3A_566 = tpu.memref_squeeze %dma_start3A_565 : memref<1x64xi32, #tpu.memory_space<vmem>> -> memref<64xi32, #tpu.memory_space<vmem>>
    %dma_start3A_567 = arith.constant 0 : i32
    %dma_start3A_568 = arith.constant 0 : i32
    %dma_start3A_569 = tpu.memref_slice %arg12[%dma_start3A_567, %dma_start3A_568] : memref<1265x128xf32, #tpu.memory_space<vmem_shared>> -> memref<1265x128xf32, #tpu.memory_space<vmem_shared>>
    tpu.enqueue_indirect_dma source(%dma_start3A_569 : memref<1265x128xf32, #tpu.memory_space<vmem_shared>>) target(%dma_start3A_563 : memref<64x128xf32, #tpu.memory_space<vmem>>) offsets(%dma_start3A_566 : memref<64xi32, #tpu.memory_space<vmem>>) semaphore(%arg16 : memref<!tpu.dma_semaphore, #tpu.memory_space<semaphore_mem>>)
    %scan3A = arith.constant 0 : i32
    %scan3A_570 = arith.constant 0 : i32
    %scan3A_571 = arith.constant 32 : i32
    %scan3A_572 = arith.addi %scan3A_570, %scan3A_571 : i32
    %scan3A_573 = arith.constant 1 : i32
    %scan3A_574 = scf.for %scan3A_636 = %scan3A_570 to %scan3A_572 step %scan3A_573 iter_args(%scan3A_637 = %scan3A) -> (i32)  : i32 {
      %mul3A_638 = arith.constant 4 : i32
      %mul3A_639 = arith.muli %scan3A_636, %mul3A_638 : i32
      %add3A_640 = arith.constant 0 : i32
      %add3A_641 = arith.addi %mul3A_639, %add3A_640 : i32
      %dma_wait3A_642 = arith.constant 0 : i32
      %dma_wait3A_643 = arith.constant 0 : i32
      %dma_wait3A_644 = arith.constant 0 : i32
      %dma_wait3A_645 = tpu.memref_slice %arg11[%dma_wait3A_642, %dma_wait3A_643, %dma_wait3A_644] : memref<4x64x128xf32, #tpu.memory_space<vmem>> -> memref<1x64x128xf32, #tpu.memory_space<vmem>>
      %dma_wait3A_646 = tpu.memref_squeeze %dma_wait3A_645 : memref<1x64x128xf32, #tpu.memory_space<vmem>> -> memref<64x128xf32, #tpu.memory_space<vmem>>
      %dma_wait3A_647 = arith.constant 0 : i32
      %dma_wait3A_648 = tpu.memref_slice %arg10[%add3A_641, %dma_wait3A_647] : memref<128x64xi32, #tpu.memory_space<vmem>> -> memref<1x64xi32, #tpu.memory_space<vmem>>
      %dma_wait3A_649 = tpu.memref_squeeze %dma_wait3A_648 : memref<1x64xi32, #tpu.memory_space<vmem>> -> memref<64xi32, #tpu.memory_space<vmem>>
      %dma_wait3A_650 = arith.constant 0 : i32
      %dma_wait3A_651 = arith.constant 0 : i32
      %dma_wait3A_652 = tpu.memref_slice %arg12[%dma_wait3A_650, %dma_wait3A_651] : memref<1265x128xf32, #tpu.memory_space<vmem_shared>> -> memref<1265x128xf32, #tpu.memory_space<vmem_shared>>
      tpu.wait_indirect_dma semaphore(%arg13 : memref<!tpu.dma_semaphore, #tpu.memory_space<semaphore_mem>>) src(%dma_wait3A_652 : memref<1265x128xf32, #tpu.memory_space<vmem_shared>>) dst(%dma_wait3A_646 : memref<64x128xf32, #tpu.memory_space<vmem>>)
      %mul3A_653 = arith.constant 64 : i32
      %mul3A_654 = arith.muli %add3A_641, %mul3A_653 : i32
      %add3A_655 = arith.addi %mul3A_2, %mul3A_654 : i32
      %dma_start3A_656 = arith.constant 0 : i32
      %dma_start3A_657 = arith.constant 0 : i32
      %dma_start3A_658 = arith.constant 0 : i32
      %dma_start3A_659 = tpu.memref_slice %arg11[%dma_start3A_656, %dma_start3A_657, %dma_start3A_658] : memref<4x64x128xf32, #tpu.memory_space<vmem>> -> memref<1x64x128xf32, #tpu.memory_space<vmem>>
      %dma_start3A_660 = tpu.memref_squeeze %dma_start3A_659 : memref<1x64x128xf32, #tpu.memory_space<vmem>> -> memref<64x128xf32, #tpu.memory_space<vmem>>
      %dma_start3A_661 = arith.constant 0 : i32
      %dma_start3A_662 = tpu.memref_slice %arg6[%add3A_655, %dma_start3A_661] : memref<262144x128xf32, #tpu.memory_space<hbm>> -> memref<64x128xf32, #tpu.memory_space<hbm>>
      %dma_start3A_663 = arith.constant 0 : i32
      %dma_start3A_664 = tpu.memref_slice %arg6[%add3A_655, %dma_start3A_663] : memref<262144x128xf32, #tpu.memory_space<hbm>> -> memref<64x128xf32, #tpu.memory_space<hbm>>
      %dma_start3A_665 = arith.constant 0 : i32
      %dma_start3A_666 = arith.constant 0 : i32
      %dma_start3A_667 = tpu.memref_slice %arg11[%dma_start3A_656, %dma_start3A_665, %dma_start3A_666] : memref<4x64x128xf32, #tpu.memory_space<vmem>> -> memref<1x64x128xf32, #tpu.memory_space<vmem>>
      %dma_start3A_668 = tpu.memref_squeeze %dma_start3A_667 : memref<1x64x128xf32, #tpu.memory_space<vmem>> -> memref<64x128xf32, #tpu.memory_space<vmem>>
      tpu.enqueue_dma source(%dma_start3A_668 : memref<64x128xf32, #tpu.memory_space<vmem>>) target(%dma_start3A_664 : memref<64x128xf32, #tpu.memory_space<hbm>>) target_semaphore(%arg17 : memref<!tpu.dma_semaphore, #tpu.memory_space<semaphore_mem>>)
      %add3A_669 = arith.constant 4 : i32
      %add3A_670 = arith.addi %add3A_641, %add3A_669 : i32
      %lt3A = arith.constant 128 : i32
      %lt3A_671 = arith.cmpi slt, %add3A_670, %lt3A : i32
      %convert_element_type3A_672 = arith.extui %lt3A_671 : i1 to i32
      %cond3A_673 = arith.constant 0 : i32
      %cond3A_674 = arith.cmpi ne, %convert_element_type3A_672, %cond3A_673 : i32
      scf.if %cond3A_674 {
        %add3A_790 = arith.constant 4 : i32
        %add3A_791 = arith.addi %add3A_641, %add3A_790 : i32
        %mul3A_792 = arith.constant 64 : i32
        %mul3A_793 = arith.muli %add3A_791, %mul3A_792 : i32
        %add3A_794 = arith.constant 0 : i32
        %add3A_795 = arith.addi %mul3A_793, %add3A_794 : i32
        %get3A_796 = arith.index_cast %add3A_795 : i32 to index
        %get3A_797 = tpu.vector_load %arg7[%get3A_796] {strides = array<i32>} : memref<8192xi32, #tpu.memory_space<vmem>>, vector<16xi32>,
        %get3A_798 = vector.shape_cast %get3A_797 : vector<16xi32> to vector<16xi32>
        %get3A_799 = arith.index_cast %add3A_795 : i32 to index
        %get3A_800 = tpu.vector_load %arg8[%get3A_799] {strides = array<i32>} : memref<8192xi32, #tpu.memory_space<vmem>>, vector<16xi32>,
        %get3A_801 = vector.shape_cast %get3A_800 : vector<16xi32> to vector<16xi32>
        %get3A_802 = arith.index_cast %add3A_795 : i32 to index
        %get3A_803 = tpu.vector_load %arg9[%get3A_802] {strides = array<i32>} : memref<8192xi32, #tpu.memory_space<vmem>>, vector<16xi32>,
        %get3A_804 = vector.shape_cast %get3A_803 : vector<16xi32> to vector<16xi32>
        %add3A_805 = arith.constant 5 : i32
        %add3A_806 = vector.broadcast %add3A_805 : i32 to vector<16xi32>
        %add3A_807 = arith.addi %get3A_804, %add3A_806 : vector<16xi32>
        %jit3A_808 = arith.constant 0 : i32
        %jit3A_809 = arith.constant 10 : i32
        %max3A_810 = vector.broadcast %jit3A_808 : i32 to vector<16xi32>
        %max3A_811 = arith.maxsi %max3A_810, %add3A_807 : vector<16xi32>
        %min3A_812 = vector.broadcast %jit3A_809 : i32 to vector<16xi32>
        %min3A_813 = arith.minsi %min3A_812, %max3A_811 : vector<16xi32>
        %mul3A_814 = arith.constant 55 : i32
        %mul3A_815 = vector.broadcast %mul3A_814 : i32 to vector<16xi32>
        %mul3A_816 = arith.muli %get3A_798, %mul3A_815 : vector<16xi32>
        %mul3A_817 = arith.constant 11 : i32
        %mul3A_818 = vector.broadcast %mul3A_817 : i32 to vector<16xi32>
        %mul3A_819 = arith.muli %get3A_801, %mul3A_818 : vector<16xi32>
        %add3A_820 = arith.addi %mul3A_816, %mul3A_819 : vector<16xi32>
        %add3A_821 = arith.addi %add3A_820, %min3A_813 : vector<16xi32>
        %swap3A_822 = arith.index_cast %add3A_791 : i32 to index
        %swap3A_823 = arith.constant 0 : index
        %swap3A_824 = tpu.vector_load %arg10[%swap3A_822, %swap3A_823] {strides = array<i32>} : memref<128x64xi32, #tpu.memory_space<vmem>>, vector<1x16xi32>,
        %swap3A_825 = vector.shape_cast %swap3A_824 : vector<1x16xi32> to vector<16xi32>
        %swap3A_826 = vector.shape_cast %add3A_821 : vector<16xi32> to vector<1x16xi32>
        tpu.vector_store %arg10[%swap3A_822, %swap3A_823], %swap3A_826 {strides = array<i32>} : memref<128x64xi32, #tpu.memory_space<vmem>>, vector<1x16xi32>,
        %mul3A_827 = arith.constant 64 : i32
        %mul3A_828 = arith.muli %add3A_791, %mul3A_827 : i32
        %add3A_829 = arith.constant 16 : i32
        %add3A_830 = arith.addi %mul3A_828, %add3A_829 : i32
        %get3A_831 = arith.index_cast %add3A_830 : i32 to index
        %get3A_832 = tpu.vector_load %arg7[%get3A_831] {strides = array<i32>} : memref<8192xi32, #tpu.memory_space<vmem>>, vector<16xi32>,
        %get3A_833 = vector.shape_cast %get3A_832 : vector<16xi32> to vector<16xi32>
        %get3A_834 = arith.index_cast %add3A_830 : i32 to index
        %get3A_835 = tpu.vector_load %arg8[%get3A_834] {strides = array<i32>} : memref<8192xi32, #tpu.memory_space<vmem>>, vector<16xi32>,
        %get3A_836 = vector.shape_cast %get3A_835 : vector<16xi32> to vector<16xi32>
        %get3A_837 = arith.index_cast %add3A_830 : i32 to index
        %get3A_838 = tpu.vector_load %arg9[%get3A_837] {strides = array<i32>} : memref<8192xi32, #tpu.memory_space<vmem>>, vector<16xi32>,
        %get3A_839 = vector.shape_cast %get3A_838 : vector<16xi32> to vector<16xi32>
        %add3A_840 = arith.constant 5 : i32
        %add3A_841 = vector.broadcast %add3A_840 : i32 to vector<16xi32>
        %add3A_842 = arith.addi %get3A_839, %add3A_841 : vector<16xi32>
        %jit3A_843 = arith.constant 0 : i32
        %jit3A_844 = arith.constant 10 : i32
        %max3A_845 = vector.broadcast %jit3A_843 : i32 to vector<16xi32>
        %max3A_846 = arith.maxsi %max3A_845, %add3A_842 : vector<16xi32>
        %min3A_847 = vector.broadcast %jit3A_844 : i32 to vector<16xi32>
        %min3A_848 = arith.minsi %min3A_847, %max3A_846 : vector<16xi32>
        %mul3A_849 = arith.constant 55 : i32
        %mul3A_850 = vector.broadcast %mul3A_849 : i32 to vector<16xi32>
        %mul3A_851 = arith.muli %get3A_833, %mul3A_850 : vector<16xi32>
        %mul3A_852 = arith.constant 11 : i32
        %mul3A_853 = vector.broadcast %mul3A_852 : i32 to vector<16xi32>
        %mul3A_854 = arith.muli %get3A_836, %mul3A_853 : vector<16xi32>
        %add3A_855 = arith.addi %mul3A_851, %mul3A_854 : vector<16xi32>
        %add3A_856 = arith.addi %add3A_855, %min3A_848 : vector<16xi32>
        %swap3A_857 = arith.index_cast %add3A_791 : i32 to index
        %swap3A_858 = arith.constant 16 : index
        %swap3A_859 = tpu.vector_load %arg10[%swap3A_857, %swap3A_858] {strides = array<i32>} : memref<128x64xi32, #tpu.memory_space<vmem>>, vector<1x16xi32>,
        %swap3A_860 = vector.shape_cast %swap3A_859 : vector<1x16xi32> to vector<16xi32>
        %swap3A_861 = vector.shape_cast %add3A_856 : vector<16xi32> to vector<1x16xi32>
        tpu.vector_store %arg10[%swap3A_857, %swap3A_858], %swap3A_861 {strides = array<i32>} : memref<128x64xi32, #tpu.memory_space<vmem>>, vector<1x16xi32>,
        %mul3A_862 = arith.constant 64 : i32
        %mul3A_863 = arith.muli %add3A_791, %mul3A_862 : i32
        %add3A_864 = arith.constant 32 : i32
        %add3A_865 = arith.addi %mul3A_863, %add3A_864 : i32
        %get3A_866 = arith.index_cast %add3A_865 : i32 to index
        %get3A_867 = tpu.vector_load %arg7[%get3A_866] {strides = array<i32>} : memref<8192xi32, #tpu.memory_space<vmem>>, vector<16xi32>,
        %get3A_868 = vector.shape_cast %get3A_867 : vector<16xi32> to vector<16xi32>
        %get3A_869 = arith.index_cast %add3A_865 : i32 to index
        %get3A_870 = tpu.vector_load %arg8[%get3A_869] {strides = array<i32>} : memref<8192xi32, #tpu.memory_space<vmem>>, vector<16xi32>,
        %get3A_871 = vector.shape_cast %get3A_870 : vector<16xi32> to vector<16xi32>
        %get3A_872 = arith.index_cast %add3A_865 : i32 to index
        %get3A_873 = tpu.vector_load %arg9[%get3A_872] {strides = array<i32>} : memref<8192xi32, #tpu.memory_space<vmem>>, vector<16xi32>,
        %get3A_874 = vector.shape_cast %get3A_873 : vector<16xi32> to vector<16xi32>
        %add3A_875 = arith.constant 5 : i32
        %add3A_876 = vector.broadcast %add3A_875 : i32 to vector<16xi32>
        %add3A_877 = arith.addi %get3A_874, %add3A_876 : vector<16xi32>
        %jit3A_878 = arith.constant 0 : i32
        %jit3A_879 = arith.constant 10 : i32
        %max3A_880 = vector.broadcast %jit3A_878 : i32 to vector<16xi32>
        %max3A_881 = arith.maxsi %max3A_880, %add3A_877 : vector<16xi32>
        %min3A_882 = vector.broadcast %jit3A_879 : i32 to vector<16xi32>
        %min3A_883 = arith.minsi %min3A_882, %max3A_881 : vector<16xi32>
        %mul3A_884 = arith.constant 55 : i32
        %mul3A_885 = vector.broadcast %mul3A_884 : i32 to vector<16xi32>
        %mul3A_886 = arith.muli %get3A_868, %mul3A_885 : vector<16xi32>
        %mul3A_887 = arith.constant 11 : i32
        %mul3A_888 = vector.broadcast %mul3A_887 : i32 to vector<16xi32>
        %mul3A_889 = arith.muli %get3A_871, %mul3A_888 : vector<16xi32>
        %add3A_890 = arith.addi %mul3A_886, %mul3A_889 : vector<16xi32>
        %add3A_891 = arith.addi %add3A_890, %min3A_883 : vector<16xi32>
        %swap3A_892 = arith.index_cast %add3A_791 : i32 to index
        %swap3A_893 = arith.constant 32 : index
        %swap3A_894 = tpu.vector_load %arg10[%swap3A_892, %swap3A_893] {strides = array<i32>} : memref<128x64xi32, #tpu.memory_space<vmem>>, vector<1x16xi32>,
        %swap3A_895 = vector.shape_cast %swap3A_894 : vector<1x16xi32> to vector<16xi32>
        %swap3A_896 = vector.shape_cast %add3A_891 : vector<16xi32> to vector<1x16xi32>
        tpu.vector_store %arg10[%swap3A_892, %swap3A_893], %swap3A_896 {strides = array<i32>} : memref<128x64xi32, #tpu.memory_space<vmem>>, vector<1x16xi32>,
        %mul3A_897 = arith.constant 64 : i32
        %mul3A_898 = arith.muli %add3A_791, %mul3A_897 : i32
        %add3A_899 = arith.constant 48 : i32
        %add3A_900 = arith.addi %mul3A_898, %add3A_899 : i32
        %get3A_901 = arith.index_cast %add3A_900 : i32 to index
        %get3A_902 = tpu.vector_load %arg7[%get3A_901] {strides = array<i32>} : memref<8192xi32, #tpu.memory_space<vmem>>, vector<16xi32>,
        %get3A_903 = vector.shape_cast %get3A_902 : vector<16xi32> to vector<16xi32>
        %get3A_904 = arith.index_cast %add3A_900 : i32 to index
        %get3A_905 = tpu.vector_load %arg8[%get3A_904] {strides = array<i32>} : memref<8192xi32, #tpu.memory_space<vmem>>, vector<16xi32>,
        %get3A_906 = vector.shape_cast %get3A_905 : vector<16xi32> to vector<16xi32>
        %get3A_907 = arith.index_cast %add3A_900 : i32 to index
        %get3A_908 = tpu.vector_load %arg9[%get3A_907] {strides = array<i32>} : memref<8192xi32, #tpu.memory_space<vmem>>, vector<16xi32>,
        %get3A_909 = vector.shape_cast %get3A_908 : vector<16xi32> to vector<16xi32>
        %add3A_910 = arith.constant 5 : i32
        %add3A_911 = vector.broadcast %add3A_910 : i32 to vector<16xi32>
        %add3A_912 = arith.addi %get3A_909, %add3A_911 : vector<16xi32>
        %jit3A_913 = arith.constant 0 : i32
        %jit3A_914 = arith.constant 10 : i32
        %max3A_915 = vector.broadcast %jit3A_913 : i32 to vector<16xi32>
        %max3A_916 = arith.maxsi %max3A_915, %add3A_912 : vector<16xi32>
        %min3A_917 = vector.broadcast %jit3A_914 : i32 to vector<16xi32>
        %min3A_918 = arith.minsi %min3A_917, %max3A_916 : vector<16xi32>
        %mul3A_919 = arith.constant 55 : i32
        %mul3A_920 = vector.broadcast %mul3A_919 : i32 to vector<16xi32>
        %mul3A_921 = arith.muli %get3A_903, %mul3A_920 : vector<16xi32>
        %mul3A_922 = arith.constant 11 : i32
        %mul3A_923 = vector.broadcast %mul3A_922 : i32 to vector<16xi32>
        %mul3A_924 = arith.muli %get3A_906, %mul3A_923 : vector<16xi32>
        %add3A_925 = arith.addi %mul3A_921, %mul3A_924 : vector<16xi32>
        %add3A_926 = arith.addi %add3A_925, %min3A_918 : vector<16xi32>
        %swap3A_927 = arith.index_cast %add3A_791 : i32 to index
        %swap3A_928 = arith.constant 48 : index
        %swap3A_929 = tpu.vector_load %arg10[%swap3A_927, %swap3A_928] {strides = array<i32>} : memref<128x64xi32, #tpu.memory_space<vmem>>, vector<1x16xi32>,
        %swap3A_930 = vector.shape_cast %swap3A_929 : vector<1x16xi32> to vector<16xi32>
        %swap3A_931 = vector.shape_cast %add3A_926 : vector<16xi32> to vector<1x16xi32>
        tpu.vector_store %arg10[%swap3A_927, %swap3A_928], %swap3A_931 {strides = array<i32>} : memref<128x64xi32, #tpu.memory_space<vmem>>, vector<1x16xi32>,
        %mul3A_932 = arith.constant 64 : i32
        %mul3A_933 = arith.muli %add3A_641, %mul3A_932 : i32
        %add3A_934 = arith.addi %mul3A_2, %mul3A_933 : i32
        %dma_wait3A_935 = arith.constant 0 : i32
        %dma_wait3A_936 = arith.constant 0 : i32
        %dma_wait3A_937 = arith.constant 0 : i32
        %dma_wait3A_938 = tpu.memref_slice %arg11[%dma_wait3A_935, %dma_wait3A_936, %dma_wait3A_937] : memref<4x64x128xf32, #tpu.memory_space<vmem>> -> memref<1x64x128xf32, #tpu.memory_space<vmem>>
        %dma_wait3A_939 = tpu.memref_squeeze %dma_wait3A_938 : memref<1x64x128xf32, #tpu.memory_space<vmem>> -> memref<64x128xf32, #tpu.memory_space<vmem>>
        %dma_wait3A_940 = arith.constant 0 : i32
        %dma_wait3A_941 = tpu.memref_slice %arg6[%add3A_934, %dma_wait3A_940] : memref<262144x128xf32, #tpu.memory_space<hbm>> -> memref<64x128xf32, #tpu.memory_space<hbm>>
        %dma_wait3A_942 = arith.constant 0 : i32
        %dma_wait3A_943 = tpu.memref_slice %arg6[%add3A_934, %dma_wait3A_942] : memref<262144x128xf32, #tpu.memory_space<hbm>> -> memref<64x128xf32, #tpu.memory_space<hbm>>
        %dma_wait3A_944 = arith.constant 0 : i32
        %dma_wait3A_945 = arith.constant 0 : i32
        %dma_wait3A_946 = tpu.memref_slice %arg11[%dma_wait3A_935, %dma_wait3A_944, %dma_wait3A_945] : memref<4x64x128xf32, #tpu.memory_space<vmem>> -> memref<1x64x128xf32, #tpu.memory_space<vmem>>
        %dma_wait3A_947 = tpu.memref_squeeze %dma_wait3A_946 : memref<1x64x128xf32, #tpu.memory_space<vmem>> -> memref<64x128xf32, #tpu.memory_space<vmem>>
        tpu.wait_dma2 semaphore(%arg17 : memref<!tpu.dma_semaphore, #tpu.memory_space<semaphore_mem>>) src(%dma_wait3A_947 : memref<64x128xf32, #tpu.memory_space<vmem>>) dst(%dma_wait3A_943 : memref<64x128xf32, #tpu.memory_space<hbm>>)
        %add3A_948 = arith.constant 4 : i32
        %add3A_949 = arith.addi %add3A_641, %add3A_948 : i32
        %dma_start3A_950 = arith.constant 0 : i32
        %dma_start3A_951 = arith.constant 0 : i32
        %dma_start3A_952 = arith.constant 0 : i32
        %dma_start3A_953 = tpu.memref_slice %arg11[%dma_start3A_950, %dma_start3A_951, %dma_start3A_952] : memref<4x64x128xf32, #tpu.memory_space<vmem>> -> memref<1x64x128xf32, #tpu.memory_space<vmem>>
        %dma_start3A_954 = tpu.memref_squeeze %dma_start3A_953 : memref<1x64x128xf32, #tpu.memory_space<vmem>> -> memref<64x128xf32, #tpu.memory_space<vmem>>
        %dma_start3A_955 = arith.constant 0 : i32
        %dma_start3A_956 = tpu.memref_slice %arg10[%add3A_949, %dma_start3A_955] : memref<128x64xi32, #tpu.memory_space<vmem>> -> memref<1x64xi32, #tpu.memory_space<vmem>>
        %dma_start3A_957 = tpu.memref_squeeze %dma_start3A_956 : memref<1x64xi32, #tpu.memory_space<vmem>> -> memref<64xi32, #tpu.memory_space<vmem>>
        %dma_start3A_958 = arith.constant 0 : i32
        %dma_start3A_959 = arith.constant 0 : i32
        %dma_start3A_960 = tpu.memref_slice %arg12[%dma_start3A_958, %dma_start3A_959] : memref<1265x128xf32, #tpu.memory_space<vmem_shared>> -> memref<1265x128xf32, #tpu.memory_space<vmem_shared>>
        tpu.enqueue_indirect_dma source(%dma_start3A_960 : memref<1265x128xf32, #tpu.memory_space<vmem_shared>>) target(%dma_start3A_954 : memref<64x128xf32, #tpu.memory_space<vmem>>) offsets(%dma_start3A_957 : memref<64xi32, #tpu.memory_space<vmem>>) semaphore(%arg13 : memref<!tpu.dma_semaphore, #tpu.memory_space<semaphore_mem>>)
      } else {
      }
      %mul3A_675 = arith.constant 4 : i32
      %mul3A_676 = arith.muli %scan3A_636, %mul3A_675 : i32
      %add3A_677 = arith.constant 1 : i32
      %add3A_678 = arith.addi %mul3A_676, %add3A_677 : i32
      %dma_wait3A_679 = arith.constant 1 : i32
      %dma_wait3A_680 = arith.constant 0 : i32
      %dma_wait3A_681 = arith.constant 0 : i32
      %dma_wait3A_682 = tpu.memref_slice %arg11[%dma_wait3A_679, %dma_wait3A_680, %dma_wait3A_681] : memref<4x64x128xf32, #tpu.memory_space<vmem>> -> memref<1x64x128xf32, #tpu.memory_space<vmem>>
      %dma_wait3A_683 = tpu.memref_squeeze %dma_wait3A_682 : memref<1x64x128xf32, #tpu.memory_space<vmem>> -> memref<64x128xf32, #tpu.memory_space<vmem>>
      %dma_wait3A_684 = arith.constant 0 : i32
      %dma_wait3A_685 = tpu.memref_slice %arg10[%add3A_678, %dma_wait3A_684] : memref<128x64xi32, #tpu.memory_space<vmem>> -> memref<1x64xi32, #tpu.memory_space<vmem>>
      %dma_wait3A_686 = tpu.memref_squeeze %dma_wait3A_685 : memref<1x64xi32, #tpu.memory_space<vmem>> -> memref<64xi32, #tpu.memory_space<vmem>>
      %dma_wait3A_687 = arith.constant 0 : i32
      %dma_wait3A_688 = arith.constant 0 : i32
      %dma_wait3A_689 = tpu.memref_slice %arg12[%dma_wait3A_687, %dma_wait3A_688] : memref<1265x128xf32, #tpu.memory_space<vmem_shared>> -> memref<1265x128xf32, #tpu.memory_space<vmem_shared>>
      tpu.wait_indirect_dma semaphore(%arg14 : memref<!tpu.dma_semaphore, #tpu.memory_space<semaphore_mem>>) src(%dma_wait3A_689 : memref<1265x128xf32, #tpu.memory_space<vmem_shared>>) dst(%dma_wait3A_683 : memref<64x128xf32, #tpu.memory_space<vmem>>)
      %mul3A_690 = arith.constant 64 : i32
      %mul3A_691 = arith.muli %add3A_678, %mul3A_690 : i32
      %add3A_692 = arith.addi %mul3A_2, %mul3A_691 : i32
      %dma_start3A_693 = arith.constant 1 : i32
      %dma_start3A_694 = arith.constant 0 : i32
      %dma_start3A_695 = arith.constant 0 : i32
      %dma_start3A_696 = tpu.memref_slice %arg11[%dma_start3A_693, %dma_start3A_694, %dma_start3A_695] : memref<4x64x128xf32, #tpu.memory_space<vmem>> -> memref<1x64x128xf32, #tpu.memory_space<vmem>>
      %dma_start3A_697 = tpu.memref_squeeze %dma_start3A_696 : memref<1x64x128xf32, #tpu.memory_space<vmem>> -> memref<64x128xf32, #tpu.memory_space<vmem>>
      %dma_start3A_698 = arith.constant 0 : i32
      %dma_start3A_699 = tpu.memref_slice %arg6[%add3A_692, %dma_start3A_698] : memref<262144x128xf32, #tpu.memory_space<hbm>> -> memref<64x128xf32, #tpu.memory_space<hbm>>
      %dma_start3A_700 = arith.constant 0 : i32
      %dma_start3A_701 = tpu.memref_slice %arg6[%add3A_692, %dma_start3A_700] : memref<262144x128xf32, #tpu.memory_space<hbm>> -> memref<64x128xf32, #tpu.memory_space<hbm>>
      %dma_start3A_702 = arith.constant 0 : i32
      %dma_start3A_703 = arith.constant 0 : i32
      %dma_start3A_704 = tpu.memref_slice %arg11[%dma_start3A_693, %dma_start3A_702, %dma_start3A_703] : memref<4x64x128xf32, #tpu.memory_space<vmem>> -> memref<1x64x128xf32, #tpu.memory_space<vmem>>
      %dma_start3A_705 = tpu.memref_squeeze %dma_start3A_704 : memref<1x64x128xf32, #tpu.memory_space<vmem>> -> memref<64x128xf32, #tpu.memory_space<vmem>>
      tpu.enqueue_dma source(%dma_start3A_705 : memref<64x128xf32, #tpu.memory_space<vmem>>) target(%dma_start3A_701 : memref<64x128xf32, #tpu.memory_space<hbm>>) target_semaphore(%arg18 : memref<!tpu.dma_semaphore, #tpu.memory_space<semaphore_mem>>)
      %add3A_706 = arith.constant 4 : i32
      %add3A_707 = arith.addi %add3A_678, %add3A_706 : i32
      %lt3A_708 = arith.constant 128 : i32
      %lt3A_709 = arith.cmpi slt, %add3A_707, %lt3A_708 : i32
      %convert_element_type3A_710 = arith.extui %lt3A_709 : i1 to i32
      %cond3A_711 = arith.constant 0 : i32
      %cond3A_712 = arith.cmpi ne, %convert_element_type3A_710, %cond3A_711 : i32
      scf.if %cond3A_712 {
        %add3A_790 = arith.constant 4 : i32
        %add3A_791 = arith.addi %add3A_678, %add3A_790 : i32
        %mul3A_792 = arith.constant 64 : i32
        %mul3A_793 = arith.muli %add3A_791, %mul3A_792 : i32
        %add3A_794 = arith.constant 0 : i32
        %add3A_795 = arith.addi %mul3A_793, %add3A_794 : i32
        %get3A_796 = arith.index_cast %add3A_795 : i32 to index
        %get3A_797 = tpu.vector_load %arg7[%get3A_796] {strides = array<i32>} : memref<8192xi32, #tpu.memory_space<vmem>>, vector<16xi32>,
        %get3A_798 = vector.shape_cast %get3A_797 : vector<16xi32> to vector<16xi32>
        %get3A_799 = arith.index_cast %add3A_795 : i32 to index
        %get3A_800 = tpu.vector_load %arg8[%get3A_799] {strides = array<i32>} : memref<8192xi32, #tpu.memory_space<vmem>>, vector<16xi32>,
        %get3A_801 = vector.shape_cast %get3A_800 : vector<16xi32> to vector<16xi32>
        %get3A_802 = arith.index_cast %add3A_795 : i32 to index
        %get3A_803 = tpu.vector_load %arg9[%get3A_802] {strides = array<i32>} : memref<8192xi32, #tpu.memory_space<vmem>>, vector<16xi32>,
        %get3A_804 = vector.shape_cast %get3A_803 : vector<16xi32> to vector<16xi32>
        %add3A_805 = arith.constant 5 : i32
        %add3A_806 = vector.broadcast %add3A_805 : i32 to vector<16xi32>
        %add3A_807 = arith.addi %get3A_804, %add3A_806 : vector<16xi32>
        %jit3A_808 = arith.constant 0 : i32
        %jit3A_809 = arith.constant 10 : i32
        %max3A_810 = vector.broadcast %jit3A_808 : i32 to vector<16xi32>
        %max3A_811 = arith.maxsi %max3A_810, %add3A_807 : vector<16xi32>
        %min3A_812 = vector.broadcast %jit3A_809 : i32 to vector<16xi32>
        %min3A_813 = arith.minsi %min3A_812, %max3A_811 : vector<16xi32>
        %mul3A_814 = arith.constant 55 : i32
        %mul3A_815 = vector.broadcast %mul3A_814 : i32 to vector<16xi32>
        %mul3A_816 = arith.muli %get3A_798, %mul3A_815 : vector<16xi32>
        %mul3A_817 = arith.constant 11 : i32
        %mul3A_818 = vector.broadcast %mul3A_817 : i32 to vector<16xi32>
        %mul3A_819 = arith.muli %get3A_801, %mul3A_818 : vector<16xi32>
        %add3A_820 = arith.addi %mul3A_816, %mul3A_819 : vector<16xi32>
        %add3A_821 = arith.addi %add3A_820, %min3A_813 : vector<16xi32>
        %swap3A_822 = arith.index_cast %add3A_791 : i32 to index
        %swap3A_823 = arith.constant 0 : index
        %swap3A_824 = tpu.vector_load %arg10[%swap3A_822, %swap3A_823] {strides = array<i32>} : memref<128x64xi32, #tpu.memory_space<vmem>>, vector<1x16xi32>,
        %swap3A_825 = vector.shape_cast %swap3A_824 : vector<1x16xi32> to vector<16xi32>
        %swap3A_826 = vector.shape_cast %add3A_821 : vector<16xi32> to vector<1x16xi32>
        tpu.vector_store %arg10[%swap3A_822, %swap3A_823], %swap3A_826 {strides = array<i32>} : memref<128x64xi32, #tpu.memory_space<vmem>>, vector<1x16xi32>,
        %mul3A_827 = arith.constant 64 : i32
        %mul3A_828 = arith.muli %add3A_791, %mul3A_827 : i32
        %add3A_829 = arith.constant 16 : i32
        %add3A_830 = arith.addi %mul3A_828, %add3A_829 : i32
        %get3A_831 = arith.index_cast %add3A_830 : i32 to index
        %get3A_832 = tpu.vector_load %arg7[%get3A_831] {strides = array<i32>} : memref<8192xi32, #tpu.memory_space<vmem>>, vector<16xi32>,
        %get3A_833 = vector.shape_cast %get3A_832 : vector<16xi32> to vector<16xi32>
        %get3A_834 = arith.index_cast %add3A_830 : i32 to index
        %get3A_835 = tpu.vector_load %arg8[%get3A_834] {strides = array<i32>} : memref<8192xi32, #tpu.memory_space<vmem>>, vector<16xi32>,
        %get3A_836 = vector.shape_cast %get3A_835 : vector<16xi32> to vector<16xi32>
        %get3A_837 = arith.index_cast %add3A_830 : i32 to index
        %get3A_838 = tpu.vector_load %arg9[%get3A_837] {strides = array<i32>} : memref<8192xi32, #tpu.memory_space<vmem>>, vector<16xi32>,
        %get3A_839 = vector.shape_cast %get3A_838 : vector<16xi32> to vector<16xi32>
        %add3A_840 = arith.constant 5 : i32
        %add3A_841 = vector.broadcast %add3A_840 : i32 to vector<16xi32>
        %add3A_842 = arith.addi %get3A_839, %add3A_841 : vector<16xi32>
        %jit3A_843 = arith.constant 0 : i32
        %jit3A_844 = arith.constant 10 : i32
        %max3A_845 = vector.broadcast %jit3A_843 : i32 to vector<16xi32>
        %max3A_846 = arith.maxsi %max3A_845, %add3A_842 : vector<16xi32>
        %min3A_847 = vector.broadcast %jit3A_844 : i32 to vector<16xi32>
        %min3A_848 = arith.minsi %min3A_847, %max3A_846 : vector<16xi32>
        %mul3A_849 = arith.constant 55 : i32
        %mul3A_850 = vector.broadcast %mul3A_849 : i32 to vector<16xi32>
        %mul3A_851 = arith.muli %get3A_833, %mul3A_850 : vector<16xi32>
        %mul3A_852 = arith.constant 11 : i32
        %mul3A_853 = vector.broadcast %mul3A_852 : i32 to vector<16xi32>
        %mul3A_854 = arith.muli %get3A_836, %mul3A_853 : vector<16xi32>
        %add3A_855 = arith.addi %mul3A_851, %mul3A_854 : vector<16xi32>
        %add3A_856 = arith.addi %add3A_855, %min3A_848 : vector<16xi32>
        %swap3A_857 = arith.index_cast %add3A_791 : i32 to index
        %swap3A_858 = arith.constant 16 : index
        %swap3A_859 = tpu.vector_load %arg10[%swap3A_857, %swap3A_858] {strides = array<i32>} : memref<128x64xi32, #tpu.memory_space<vmem>>, vector<1x16xi32>,
        %swap3A_860 = vector.shape_cast %swap3A_859 : vector<1x16xi32> to vector<16xi32>
        %swap3A_861 = vector.shape_cast %add3A_856 : vector<16xi32> to vector<1x16xi32>
        tpu.vector_store %arg10[%swap3A_857, %swap3A_858], %swap3A_861 {strides = array<i32>} : memref<128x64xi32, #tpu.memory_space<vmem>>, vector<1x16xi32>,
        %mul3A_862 = arith.constant 64 : i32
        %mul3A_863 = arith.muli %add3A_791, %mul3A_862 : i32
        %add3A_864 = arith.constant 32 : i32
        %add3A_865 = arith.addi %mul3A_863, %add3A_864 : i32
        %get3A_866 = arith.index_cast %add3A_865 : i32 to index
        %get3A_867 = tpu.vector_load %arg7[%get3A_866] {strides = array<i32>} : memref<8192xi32, #tpu.memory_space<vmem>>, vector<16xi32>,
        %get3A_868 = vector.shape_cast %get3A_867 : vector<16xi32> to vector<16xi32>
        %get3A_869 = arith.index_cast %add3A_865 : i32 to index
        %get3A_870 = tpu.vector_load %arg8[%get3A_869] {strides = array<i32>} : memref<8192xi32, #tpu.memory_space<vmem>>, vector<16xi32>,
        %get3A_871 = vector.shape_cast %get3A_870 : vector<16xi32> to vector<16xi32>
        %get3A_872 = arith.index_cast %add3A_865 : i32 to index
        %get3A_873 = tpu.vector_load %arg9[%get3A_872] {strides = array<i32>} : memref<8192xi32, #tpu.memory_space<vmem>>, vector<16xi32>,
        %get3A_874 = vector.shape_cast %get3A_873 : vector<16xi32> to vector<16xi32>
        %add3A_875 = arith.constant 5 : i32
        %add3A_876 = vector.broadcast %add3A_875 : i32 to vector<16xi32>
        %add3A_877 = arith.addi %get3A_874, %add3A_876 : vector<16xi32>
        %jit3A_878 = arith.constant 0 : i32
        %jit3A_879 = arith.constant 10 : i32
        %max3A_880 = vector.broadcast %jit3A_878 : i32 to vector<16xi32>
        %max3A_881 = arith.maxsi %max3A_880, %add3A_877 : vector<16xi32>
        %min3A_882 = vector.broadcast %jit3A_879 : i32 to vector<16xi32>
        %min3A_883 = arith.minsi %min3A_882, %max3A_881 : vector<16xi32>
        %mul3A_884 = arith.constant 55 : i32
        %mul3A_885 = vector.broadcast %mul3A_884 : i32 to vector<16xi32>
        %mul3A_886 = arith.muli %get3A_868, %mul3A_885 : vector<16xi32>
        %mul3A_887 = arith.constant 11 : i32
        %mul3A_888 = vector.broadcast %mul3A_887 : i32 to vector<16xi32>
        %mul3A_889 = arith.muli %get3A_871, %mul3A_888 : vector<16xi32>
        %add3A_890 = arith.addi %mul3A_886, %mul3A_889 : vector<16xi32>
        %add3A_891 = arith.addi %add3A_890, %min3A_883 : vector<16xi32>
        %swap3A_892 = arith.index_cast %add3A_791 : i32 to index
        %swap3A_893 = arith.constant 32 : index
        %swap3A_894 = tpu.vector_load %arg10[%swap3A_892, %swap3A_893] {strides = array<i32>} : memref<128x64xi32, #tpu.memory_space<vmem>>, vector<1x16xi32>,
        %swap3A_895 = vector.shape_cast %swap3A_894 : vector<1x16xi32> to vector<16xi32>
        %swap3A_896 = vector.shape_cast %add3A_891 : vector<16xi32> to vector<1x16xi32>
        tpu.vector_store %arg10[%swap3A_892, %swap3A_893], %swap3A_896 {strides = array<i32>} : memref<128x64xi32, #tpu.memory_space<vmem>>, vector<1x16xi32>,
        %mul3A_897 = arith.constant 64 : i32
        %mul3A_898 = arith.muli %add3A_791, %mul3A_897 : i32
        %add3A_899 = arith.constant 48 : i32
        %add3A_900 = arith.addi %mul3A_898, %add3A_899 : i32
        %get3A_901 = arith.index_cast %add3A_900 : i32 to index
        %get3A_902 = tpu.vector_load %arg7[%get3A_901] {strides = array<i32>} : memref<8192xi32, #tpu.memory_space<vmem>>, vector<16xi32>,
        %get3A_903 = vector.shape_cast %get3A_902 : vector<16xi32> to vector<16xi32>
        %get3A_904 = arith.index_cast %add3A_900 : i32 to index
        %get3A_905 = tpu.vector_load %arg8[%get3A_904] {strides = array<i32>} : memref<8192xi32, #tpu.memory_space<vmem>>, vector<16xi32>,
        %get3A_906 = vector.shape_cast %get3A_905 : vector<16xi32> to vector<16xi32>
        %get3A_907 = arith.index_cast %add3A_900 : i32 to index
        %get3A_908 = tpu.vector_load %arg9[%get3A_907] {strides = array<i32>} : memref<8192xi32, #tpu.memory_space<vmem>>, vector<16xi32>,
        %get3A_909 = vector.shape_cast %get3A_908 : vector<16xi32> to vector<16xi32>
        %add3A_910 = arith.constant 5 : i32
        %add3A_911 = vector.broadcast %add3A_910 : i32 to vector<16xi32>
        %add3A_912 = arith.addi %get3A_909, %add3A_911 : vector<16xi32>
        %jit3A_913 = arith.constant 0 : i32
        %jit3A_914 = arith.constant 10 : i32
        %max3A_915 = vector.broadcast %jit3A_913 : i32 to vector<16xi32>
        %max3A_916 = arith.maxsi %max3A_915, %add3A_912 : vector<16xi32>
        %min3A_917 = vector.broadcast %jit3A_914 : i32 to vector<16xi32>
        %min3A_918 = arith.minsi %min3A_917, %max3A_916 : vector<16xi32>
        %mul3A_919 = arith.constant 55 : i32
        %mul3A_920 = vector.broadcast %mul3A_919 : i32 to vector<16xi32>
        %mul3A_921 = arith.muli %get3A_903, %mul3A_920 : vector<16xi32>
        %mul3A_922 = arith.constant 11 : i32
        %mul3A_923 = vector.broadcast %mul3A_922 : i32 to vector<16xi32>
        %mul3A_924 = arith.muli %get3A_906, %mul3A_923 : vector<16xi32>
        %add3A_925 = arith.addi %mul3A_921, %mul3A_924 : vector<16xi32>
        %add3A_926 = arith.addi %add3A_925, %min3A_918 : vector<16xi32>
        %swap3A_927 = arith.index_cast %add3A_791 : i32 to index
        %swap3A_928 = arith.constant 48 : index
        %swap3A_929 = tpu.vector_load %arg10[%swap3A_927, %swap3A_928] {strides = array<i32>} : memref<128x64xi32, #tpu.memory_space<vmem>>, vector<1x16xi32>,
        %swap3A_930 = vector.shape_cast %swap3A_929 : vector<1x16xi32> to vector<16xi32>
        %swap3A_931 = vector.shape_cast %add3A_926 : vector<16xi32> to vector<1x16xi32>
        tpu.vector_store %arg10[%swap3A_927, %swap3A_928], %swap3A_931 {strides = array<i32>} : memref<128x64xi32, #tpu.memory_space<vmem>>, vector<1x16xi32>,
        %mul3A_932 = arith.constant 64 : i32
        %mul3A_933 = arith.muli %add3A_678, %mul3A_932 : i32
        %add3A_934 = arith.addi %mul3A_2, %mul3A_933 : i32
        %dma_wait3A_935 = arith.constant 1 : i32
        %dma_wait3A_936 = arith.constant 0 : i32
        %dma_wait3A_937 = arith.constant 0 : i32
        %dma_wait3A_938 = tpu.memref_slice %arg11[%dma_wait3A_935, %dma_wait3A_936, %dma_wait3A_937] : memref<4x64x128xf32, #tpu.memory_space<vmem>> -> memref<1x64x128xf32, #tpu.memory_space<vmem>>
        %dma_wait3A_939 = tpu.memref_squeeze %dma_wait3A_938 : memref<1x64x128xf32, #tpu.memory_space<vmem>> -> memref<64x128xf32, #tpu.memory_space<vmem>>
        %dma_wait3A_940 = arith.constant 0 : i32
        %dma_wait3A_941 = tpu.memref_slice %arg6[%add3A_934, %dma_wait3A_940] : memref<262144x128xf32, #tpu.memory_space<hbm>> -> memref<64x128xf32, #tpu.memory_space<hbm>>
        %dma_wait3A_942 = arith.constant 0 : i32
        %dma_wait3A_943 = tpu.memref_slice %arg6[%add3A_934, %dma_wait3A_942] : memref<262144x128xf32, #tpu.memory_space<hbm>> -> memref<64x128xf32, #tpu.memory_space<hbm>>
        %dma_wait3A_944 = arith.constant 0 : i32
        %dma_wait3A_945 = arith.constant 0 : i32
        %dma_wait3A_946 = tpu.memref_slice %arg11[%dma_wait3A_935, %dma_wait3A_944, %dma_wait3A_945] : memref<4x64x128xf32, #tpu.memory_space<vmem>> -> memref<1x64x128xf32, #tpu.memory_space<vmem>>
        %dma_wait3A_947 = tpu.memref_squeeze %dma_wait3A_946 : memref<1x64x128xf32, #tpu.memory_space<vmem>> -> memref<64x128xf32, #tpu.memory_space<vmem>>
        tpu.wait_dma2 semaphore(%arg18 : memref<!tpu.dma_semaphore, #tpu.memory_space<semaphore_mem>>) src(%dma_wait3A_947 : memref<64x128xf32, #tpu.memory_space<vmem>>) dst(%dma_wait3A_943 : memref<64x128xf32, #tpu.memory_space<hbm>>)
        %add3A_948 = arith.constant 4 : i32
        %add3A_949 = arith.addi %add3A_678, %add3A_948 : i32
        %dma_start3A_950 = arith.constant 1 : i32
        %dma_start3A_951 = arith.constant 0 : i32
        %dma_start3A_952 = arith.constant 0 : i32
        %dma_start3A_953 = tpu.memref_slice %arg11[%dma_start3A_950, %dma_start3A_951, %dma_start3A_952] : memref<4x64x128xf32, #tpu.memory_space<vmem>> -> memref<1x64x128xf32, #tpu.memory_space<vmem>>
        %dma_start3A_954 = tpu.memref_squeeze %dma_start3A_953 : memref<1x64x128xf32, #tpu.memory_space<vmem>> -> memref<64x128xf32, #tpu.memory_space<vmem>>
        %dma_start3A_955 = arith.constant 0 : i32
        %dma_start3A_956 = tpu.memref_slice %arg10[%add3A_949, %dma_start3A_955] : memref<128x64xi32, #tpu.memory_space<vmem>> -> memref<1x64xi32, #tpu.memory_space<vmem>>
        %dma_start3A_957 = tpu.memref_squeeze %dma_start3A_956 : memref<1x64xi32, #tpu.memory_space<vmem>> -> memref<64xi32, #tpu.memory_space<vmem>>
        %dma_start3A_958 = arith.constant 0 : i32
        %dma_start3A_959 = arith.constant 0 : i32
        %dma_start3A_960 = tpu.memref_slice %arg12[%dma_start3A_958, %dma_start3A_959] : memref<1265x128xf32, #tpu.memory_space<vmem_shared>> -> memref<1265x128xf32, #tpu.memory_space<vmem_shared>>
        tpu.enqueue_indirect_dma source(%dma_start3A_960 : memref<1265x128xf32, #tpu.memory_space<vmem_shared>>) target(%dma_start3A_954 : memref<64x128xf32, #tpu.memory_space<vmem>>) offsets(%dma_start3A_957 : memref<64xi32, #tpu.memory_space<vmem>>) semaphore(%arg14 : memref<!tpu.dma_semaphore, #tpu.memory_space<semaphore_mem>>)
      } else {
      }
      %mul3A_713 = arith.constant 4 : i32
      %mul3A_714 = arith.muli %scan3A_636, %mul3A_713 : i32
      %add3A_715 = arith.constant 2 : i32
      %add3A_716 = arith.addi %mul3A_714, %add3A_715 : i32
      %dma_wait3A_717 = arith.constant 2 : i32
      %dma_wait3A_718 = arith.constant 0 : i32
      %dma_wait3A_719 = arith.constant 0 : i32
      %dma_wait3A_720 = tpu.memref_slice %arg11[%dma_wait3A_717, %dma_wait3A_718, %dma_wait3A_719] : memref<4x64x128xf32, #tpu.memory_space<vmem>> -> memref<1x64x128xf32, #tpu.memory_space<vmem>>
      %dma_wait3A_721 = tpu.memref_squeeze %dma_wait3A_720 : memref<1x64x128xf32, #tpu.memory_space<vmem>> -> memref<64x128xf32, #tpu.memory_space<vmem>>
      %dma_wait3A_722 = arith.constant 0 : i32
      %dma_wait3A_723 = tpu.memref_slice %arg10[%add3A_716, %dma_wait3A_722] : memref<128x64xi32, #tpu.memory_space<vmem>> -> memref<1x64xi32, #tpu.memory_space<vmem>>
      %dma_wait3A_724 = tpu.memref_squeeze %dma_wait3A_723 : memref<1x64xi32, #tpu.memory_space<vmem>> -> memref<64xi32, #tpu.memory_space<vmem>>
      %dma_wait3A_725 = arith.constant 0 : i32
      %dma_wait3A_726 = arith.constant 0 : i32
      %dma_wait3A_727 = tpu.memref_slice %arg12[%dma_wait3A_725, %dma_wait3A_726] : memref<1265x128xf32, #tpu.memory_space<vmem_shared>> -> memref<1265x128xf32, #tpu.memory_space<vmem_shared>>
      tpu.wait_indirect_dma semaphore(%arg15 : memref<!tpu.dma_semaphore, #tpu.memory_space<semaphore_mem>>) src(%dma_wait3A_727 : memref<1265x128xf32, #tpu.memory_space<vmem_shared>>) dst(%dma_wait3A_721 : memref<64x128xf32, #tpu.memory_space<vmem>>)
      %mul3A_728 = arith.constant 64 : i32
      %mul3A_729 = arith.muli %add3A_716, %mul3A_728 : i32
      %add3A_730 = arith.addi %mul3A_2, %mul3A_729 : i32
      %dma_start3A_731 = arith.constant 2 : i32
      %dma_start3A_732 = arith.constant 0 : i32
      %dma_start3A_733 = arith.constant 0 : i32
      %dma_start3A_734 = tpu.memref_slice %arg11[%dma_start3A_731, %dma_start3A_732, %dma_start3A_733] : memref<4x64x128xf32, #tpu.memory_space<vmem>> -> memref<1x64x128xf32, #tpu.memory_space<vmem>>
      %dma_start3A_735 = tpu.memref_squeeze %dma_start3A_734 : memref<1x64x128xf32, #tpu.memory_space<vmem>> -> memref<64x128xf32, #tpu.memory_space<vmem>>
      %dma_start3A_736 = arith.constant 0 : i32
      %dma_start3A_737 = tpu.memref_slice %arg6[%add3A_730, %dma_start3A_736] : memref<262144x128xf32, #tpu.memory_space<hbm>> -> memref<64x128xf32, #tpu.memory_space<hbm>>
      %dma_start3A_738 = arith.constant 0 : i32
      %dma_start3A_739 = tpu.memref_slice %arg6[%add3A_730, %dma_start3A_738] : memref<262144x128xf32, #tpu.memory_space<hbm>> -> memref<64x128xf32, #tpu.memory_space<hbm>>
      %dma_start3A_740 = arith.constant 0 : i32
      %dma_start3A_741 = arith.constant 0 : i32
      %dma_start3A_742 = tpu.memref_slice %arg11[%dma_start3A_731, %dma_start3A_740, %dma_start3A_741] : memref<4x64x128xf32, #tpu.memory_space<vmem>> -> memref<1x64x128xf32, #tpu.memory_space<vmem>>
      %dma_start3A_743 = tpu.memref_squeeze %dma_start3A_742 : memref<1x64x128xf32, #tpu.memory_space<vmem>> -> memref<64x128xf32, #tpu.memory_space<vmem>>
      tpu.enqueue_dma source(%dma_start3A_743 : memref<64x128xf32, #tpu.memory_space<vmem>>) target(%dma_start3A_739 : memref<64x128xf32, #tpu.memory_space<hbm>>) target_semaphore(%arg19 : memref<!tpu.dma_semaphore, #tpu.memory_space<semaphore_mem>>)
      %add3A_744 = arith.constant 4 : i32
      %add3A_745 = arith.addi %add3A_716, %add3A_744 : i32
      %lt3A_746 = arith.constant 128 : i32
      %lt3A_747 = arith.cmpi slt, %add3A_745, %lt3A_746 : i32
      %convert_element_type3A_748 = arith.extui %lt3A_747 : i1 to i32
      %cond3A_749 = arith.constant 0 : i32
      %cond3A_750 = arith.cmpi ne, %convert_element_type3A_748, %cond3A_749 : i32
      scf.if %cond3A_750 {
        %add3A_790 = arith.constant 4 : i32
        %add3A_791 = arith.addi %add3A_716, %add3A_790 : i32
        %mul3A_792 = arith.constant 64 : i32
        %mul3A_793 = arith.muli %add3A_791, %mul3A_792 : i32
        %add3A_794 = arith.constant 0 : i32
        %add3A_795 = arith.addi %mul3A_793, %add3A_794 : i32
        %get3A_796 = arith.index_cast %add3A_795 : i32 to index
        %get3A_797 = tpu.vector_load %arg7[%get3A_796] {strides = array<i32>} : memref<8192xi32, #tpu.memory_space<vmem>>, vector<16xi32>,
        %get3A_798 = vector.shape_cast %get3A_797 : vector<16xi32> to vector<16xi32>
        %get3A_799 = arith.index_cast %add3A_795 : i32 to index
        %get3A_800 = tpu.vector_load %arg8[%get3A_799] {strides = array<i32>} : memref<8192xi32, #tpu.memory_space<vmem>>, vector<16xi32>,
        %get3A_801 = vector.shape_cast %get3A_800 : vector<16xi32> to vector<16xi32>
        %get3A_802 = arith.index_cast %add3A_795 : i32 to index
        %get3A_803 = tpu.vector_load %arg9[%get3A_802] {strides = array<i32>} : memref<8192xi32, #tpu.memory_space<vmem>>, vector<16xi32>,
        %get3A_804 = vector.shape_cast %get3A_803 : vector<16xi32> to vector<16xi32>
        %add3A_805 = arith.constant 5 : i32
        %add3A_806 = vector.broadcast %add3A_805 : i32 to vector<16xi32>
        %add3A_807 = arith.addi %get3A_804, %add3A_806 : vector<16xi32>
        %jit3A_808 = arith.constant 0 : i32
        %jit3A_809 = arith.constant 10 : i32
        %max3A_810 = vector.broadcast %jit3A_808 : i32 to vector<16xi32>
        %max3A_811 = arith.maxsi %max3A_810, %add3A_807 : vector<16xi32>
        %min3A_812 = vector.broadcast %jit3A_809 : i32 to vector<16xi32>
        %min3A_813 = arith.minsi %min3A_812, %max3A_811 : vector<16xi32>
        %mul3A_814 = arith.constant 55 : i32
        %mul3A_815 = vector.broadcast %mul3A_814 : i32 to vector<16xi32>
        %mul3A_816 = arith.muli %get3A_798, %mul3A_815 : vector<16xi32>
        %mul3A_817 = arith.constant 11 : i32
        %mul3A_818 = vector.broadcast %mul3A_817 : i32 to vector<16xi32>
        %mul3A_819 = arith.muli %get3A_801, %mul3A_818 : vector<16xi32>
        %add3A_820 = arith.addi %mul3A_816, %mul3A_819 : vector<16xi32>
        %add3A_821 = arith.addi %add3A_820, %min3A_813 : vector<16xi32>
        %swap3A_822 = arith.index_cast %add3A_791 : i32 to index
        %swap3A_823 = arith.constant 0 : index
        %swap3A_824 = tpu.vector_load %arg10[%swap3A_822, %swap3A_823] {strides = array<i32>} : memref<128x64xi32, #tpu.memory_space<vmem>>, vector<1x16xi32>,
        %swap3A_825 = vector.shape_cast %swap3A_824 : vector<1x16xi32> to vector<16xi32>
        %swap3A_826 = vector.shape_cast %add3A_821 : vector<16xi32> to vector<1x16xi32>
        tpu.vector_store %arg10[%swap3A_822, %swap3A_823], %swap3A_826 {strides = array<i32>} : memref<128x64xi32, #tpu.memory_space<vmem>>, vector<1x16xi32>,
        %mul3A_827 = arith.constant 64 : i32
        %mul3A_828 = arith.muli %add3A_791, %mul3A_827 : i32
        %add3A_829 = arith.constant 16 : i32
        %add3A_830 = arith.addi %mul3A_828, %add3A_829 : i32
        %get3A_831 = arith.index_cast %add3A_830 : i32 to index
        %get3A_832 = tpu.vector_load %arg7[%get3A_831] {strides = array<i32>} : memref<8192xi32, #tpu.memory_space<vmem>>, vector<16xi32>,
        %get3A_833 = vector.shape_cast %get3A_832 : vector<16xi32> to vector<16xi32>
        %get3A_834 = arith.index_cast %add3A_830 : i32 to index
        %get3A_835 = tpu.vector_load %arg8[%get3A_834] {strides = array<i32>} : memref<8192xi32, #tpu.memory_space<vmem>>, vector<16xi32>,
        %get3A_836 = vector.shape_cast %get3A_835 : vector<16xi32> to vector<16xi32>
        %get3A_837 = arith.index_cast %add3A_830 : i32 to index
        %get3A_838 = tpu.vector_load %arg9[%get3A_837] {strides = array<i32>} : memref<8192xi32, #tpu.memory_space<vmem>>, vector<16xi32>,
        %get3A_839 = vector.shape_cast %get3A_838 : vector<16xi32> to vector<16xi32>
        %add3A_840 = arith.constant 5 : i32
        %add3A_841 = vector.broadcast %add3A_840 : i32 to vector<16xi32>
        %add3A_842 = arith.addi %get3A_839, %add3A_841 : vector<16xi32>
        %jit3A_843 = arith.constant 0 : i32
        %jit3A_844 = arith.constant 10 : i32
        %max3A_845 = vector.broadcast %jit3A_843 : i32 to vector<16xi32>
        %max3A_846 = arith.maxsi %max3A_845, %add3A_842 : vector<16xi32>
        %min3A_847 = vector.broadcast %jit3A_844 : i32 to vector<16xi32>
        %min3A_848 = arith.minsi %min3A_847, %max3A_846 : vector<16xi32>
        %mul3A_849 = arith.constant 55 : i32
        %mul3A_850 = vector.broadcast %mul3A_849 : i32 to vector<16xi32>
        %mul3A_851 = arith.muli %get3A_833, %mul3A_850 : vector<16xi32>
        %mul3A_852 = arith.constant 11 : i32
        %mul3A_853 = vector.broadcast %mul3A_852 : i32 to vector<16xi32>
        %mul3A_854 = arith.muli %get3A_836, %mul3A_853 : vector<16xi32>
        %add3A_855 = arith.addi %mul3A_851, %mul3A_854 : vector<16xi32>
        %add3A_856 = arith.addi %add3A_855, %min3A_848 : vector<16xi32>
        %swap3A_857 = arith.index_cast %add3A_791 : i32 to index
        %swap3A_858 = arith.constant 16 : index
        %swap3A_859 = tpu.vector_load %arg10[%swap3A_857, %swap3A_858] {strides = array<i32>} : memref<128x64xi32, #tpu.memory_space<vmem>>, vector<1x16xi32>,
        %swap3A_860 = vector.shape_cast %swap3A_859 : vector<1x16xi32> to vector<16xi32>
        %swap3A_861 = vector.shape_cast %add3A_856 : vector<16xi32> to vector<1x16xi32>
        tpu.vector_store %arg10[%swap3A_857, %swap3A_858], %swap3A_861 {strides = array<i32>} : memref<128x64xi32, #tpu.memory_space<vmem>>, vector<1x16xi32>,
        %mul3A_862 = arith.constant 64 : i32
        %mul3A_863 = arith.muli %add3A_791, %mul3A_862 : i32
        %add3A_864 = arith.constant 32 : i32
        %add3A_865 = arith.addi %mul3A_863, %add3A_864 : i32
        %get3A_866 = arith.index_cast %add3A_865 : i32 to index
        %get3A_867 = tpu.vector_load %arg7[%get3A_866] {strides = array<i32>} : memref<8192xi32, #tpu.memory_space<vmem>>, vector<16xi32>,
        %get3A_868 = vector.shape_cast %get3A_867 : vector<16xi32> to vector<16xi32>
        %get3A_869 = arith.index_cast %add3A_865 : i32 to index
        %get3A_870 = tpu.vector_load %arg8[%get3A_869] {strides = array<i32>} : memref<8192xi32, #tpu.memory_space<vmem>>, vector<16xi32>,
        %get3A_871 = vector.shape_cast %get3A_870 : vector<16xi32> to vector<16xi32>
        %get3A_872 = arith.index_cast %add3A_865 : i32 to index
        %get3A_873 = tpu.vector_load %arg9[%get3A_872] {strides = array<i32>} : memref<8192xi32, #tpu.memory_space<vmem>>, vector<16xi32>,
        %get3A_874 = vector.shape_cast %get3A_873 : vector<16xi32> to vector<16xi32>
        %add3A_875 = arith.constant 5 : i32
        %add3A_876 = vector.broadcast %add3A_875 : i32 to vector<16xi32>
        %add3A_877 = arith.addi %get3A_874, %add3A_876 : vector<16xi32>
        %jit3A_878 = arith.constant 0 : i32
        %jit3A_879 = arith.constant 10 : i32
        %max3A_880 = vector.broadcast %jit3A_878 : i32 to vector<16xi32>
        %max3A_881 = arith.maxsi %max3A_880, %add3A_877 : vector<16xi32>
        %min3A_882 = vector.broadcast %jit3A_879 : i32 to vector<16xi32>
        %min3A_883 = arith.minsi %min3A_882, %max3A_881 : vector<16xi32>
        %mul3A_884 = arith.constant 55 : i32
        %mul3A_885 = vector.broadcast %mul3A_884 : i32 to vector<16xi32>
        %mul3A_886 = arith.muli %get3A_868, %mul3A_885 : vector<16xi32>
        %mul3A_887 = arith.constant 11 : i32
        %mul3A_888 = vector.broadcast %mul3A_887 : i32 to vector<16xi32>
        %mul3A_889 = arith.muli %get3A_871, %mul3A_888 : vector<16xi32>
        %add3A_890 = arith.addi %mul3A_886, %mul3A_889 : vector<16xi32>
        %add3A_891 = arith.addi %add3A_890, %min3A_883 : vector<16xi32>
        %swap3A_892 = arith.index_cast %add3A_791 : i32 to index
        %swap3A_893 = arith.constant 32 : index
        %swap3A_894 = tpu.vector_load %arg10[%swap3A_892, %swap3A_893] {strides = array<i32>} : memref<128x64xi32, #tpu.memory_space<vmem>>, vector<1x16xi32>,
        %swap3A_895 = vector.shape_cast %swap3A_894 : vector<1x16xi32> to vector<16xi32>
        %swap3A_896 = vector.shape_cast %add3A_891 : vector<16xi32> to vector<1x16xi32>
        tpu.vector_store %arg10[%swap3A_892, %swap3A_893], %swap3A_896 {strides = array<i32>} : memref<128x64xi32, #tpu.memory_space<vmem>>, vector<1x16xi32>,
        %mul3A_897 = arith.constant 64 : i32
        %mul3A_898 = arith.muli %add3A_791, %mul3A_897 : i32
        %add3A_899 = arith.constant 48 : i32
        %add3A_900 = arith.addi %mul3A_898, %add3A_899 : i32
        %get3A_901 = arith.index_cast %add3A_900 : i32 to index
        %get3A_902 = tpu.vector_load %arg7[%get3A_901] {strides = array<i32>} : memref<8192xi32, #tpu.memory_space<vmem>>, vector<16xi32>,
        %get3A_903 = vector.shape_cast %get3A_902 : vector<16xi32> to vector<16xi32>
        %get3A_904 = arith.index_cast %add3A_900 : i32 to index
        %get3A_905 = tpu.vector_load %arg8[%get3A_904] {strides = array<i32>} : memref<8192xi32, #tpu.memory_space<vmem>>, vector<16xi32>,
        %get3A_906 = vector.shape_cast %get3A_905 : vector<16xi32> to vector<16xi32>
        %get3A_907 = arith.index_cast %add3A_900 : i32 to index
        %get3A_908 = tpu.vector_load %arg9[%get3A_907] {strides = array<i32>} : memref<8192xi32, #tpu.memory_space<vmem>>, vector<16xi32>,
        %get3A_909 = vector.shape_cast %get3A_908 : vector<16xi32> to vector<16xi32>
        %add3A_910 = arith.constant 5 : i32
        %add3A_911 = vector.broadcast %add3A_910 : i32 to vector<16xi32>
        %add3A_912 = arith.addi %get3A_909, %add3A_911 : vector<16xi32>
        %jit3A_913 = arith.constant 0 : i32
        %jit3A_914 = arith.constant 10 : i32
        %max3A_915 = vector.broadcast %jit3A_913 : i32 to vector<16xi32>
        %max3A_916 = arith.maxsi %max3A_915, %add3A_912 : vector<16xi32>
        %min3A_917 = vector.broadcast %jit3A_914 : i32 to vector<16xi32>
        %min3A_918 = arith.minsi %min3A_917, %max3A_916 : vector<16xi32>
        %mul3A_919 = arith.constant 55 : i32
        %mul3A_920 = vector.broadcast %mul3A_919 : i32 to vector<16xi32>
        %mul3A_921 = arith.muli %get3A_903, %mul3A_920 : vector<16xi32>
        %mul3A_922 = arith.constant 11 : i32
        %mul3A_923 = vector.broadcast %mul3A_922 : i32 to vector<16xi32>
        %mul3A_924 = arith.muli %get3A_906, %mul3A_923 : vector<16xi32>
        %add3A_925 = arith.addi %mul3A_921, %mul3A_924 : vector<16xi32>
        %add3A_926 = arith.addi %add3A_925, %min3A_918 : vector<16xi32>
        %swap3A_927 = arith.index_cast %add3A_791 : i32 to index
        %swap3A_928 = arith.constant 48 : index
        %swap3A_929 = tpu.vector_load %arg10[%swap3A_927, %swap3A_928] {strides = array<i32>} : memref<128x64xi32, #tpu.memory_space<vmem>>, vector<1x16xi32>,
        %swap3A_930 = vector.shape_cast %swap3A_929 : vector<1x16xi32> to vector<16xi32>
        %swap3A_931 = vector.shape_cast %add3A_926 : vector<16xi32> to vector<1x16xi32>
        tpu.vector_store %arg10[%swap3A_927, %swap3A_928], %swap3A_931 {strides = array<i32>} : memref<128x64xi32, #tpu.memory_space<vmem>>, vector<1x16xi32>,
        %mul3A_932 = arith.constant 64 : i32
        %mul3A_933 = arith.muli %add3A_716, %mul3A_932 : i32
        %add3A_934 = arith.addi %mul3A_2, %mul3A_933 : i32
        %dma_wait3A_935 = arith.constant 2 : i32
        %dma_wait3A_936 = arith.constant 0 : i32
        %dma_wait3A_937 = arith.constant 0 : i32
        %dma_wait3A_938 = tpu.memref_slice %arg11[%dma_wait3A_935, %dma_wait3A_936, %dma_wait3A_937] : memref<4x64x128xf32, #tpu.memory_space<vmem>> -> memref<1x64x128xf32, #tpu.memory_space<vmem>>
        %dma_wait3A_939 = tpu.memref_squeeze %dma_wait3A_938 : memref<1x64x128xf32, #tpu.memory_space<vmem>> -> memref<64x128xf32, #tpu.memory_space<vmem>>
        %dma_wait3A_940 = arith.constant 0 : i32
        %dma_wait3A_941 = tpu.memref_slice %arg6[%add3A_934, %dma_wait3A_940] : memref<262144x128xf32, #tpu.memory_space<hbm>> -> memref<64x128xf32, #tpu.memory_space<hbm>>
        %dma_wait3A_942 = arith.constant 0 : i32
        %dma_wait3A_943 = tpu.memref_slice %arg6[%add3A_934, %dma_wait3A_942] : memref<262144x128xf32, #tpu.memory_space<hbm>> -> memref<64x128xf32, #tpu.memory_space<hbm>>
        %dma_wait3A_944 = arith.constant 0 : i32
        %dma_wait3A_945 = arith.constant 0 : i32
        %dma_wait3A_946 = tpu.memref_slice %arg11[%dma_wait3A_935, %dma_wait3A_944, %dma_wait3A_945] : memref<4x64x128xf32, #tpu.memory_space<vmem>> -> memref<1x64x128xf32, #tpu.memory_space<vmem>>
        %dma_wait3A_947 = tpu.memref_squeeze %dma_wait3A_946 : memref<1x64x128xf32, #tpu.memory_space<vmem>> -> memref<64x128xf32, #tpu.memory_space<vmem>>
        tpu.wait_dma2 semaphore(%arg19 : memref<!tpu.dma_semaphore, #tpu.memory_space<semaphore_mem>>) src(%dma_wait3A_947 : memref<64x128xf32, #tpu.memory_space<vmem>>) dst(%dma_wait3A_943 : memref<64x128xf32, #tpu.memory_space<hbm>>)
        %add3A_948 = arith.constant 4 : i32
        %add3A_949 = arith.addi %add3A_716, %add3A_948 : i32
        %dma_start3A_950 = arith.constant 2 : i32
        %dma_start3A_951 = arith.constant 0 : i32
        %dma_start3A_952 = arith.constant 0 : i32
        %dma_start3A_953 = tpu.memref_slice %arg11[%dma_start3A_950, %dma_start3A_951, %dma_start3A_952] : memref<4x64x128xf32, #tpu.memory_space<vmem>> -> memref<1x64x128xf32, #tpu.memory_space<vmem>>
        %dma_start3A_954 = tpu.memref_squeeze %dma_start3A_953 : memref<1x64x128xf32, #tpu.memory_space<vmem>> -> memref<64x128xf32, #tpu.memory_space<vmem>>
        %dma_start3A_955 = arith.constant 0 : i32
        %dma_start3A_956 = tpu.memref_slice %arg10[%add3A_949, %dma_start3A_955] : memref<128x64xi32, #tpu.memory_space<vmem>> -> memref<1x64xi32, #tpu.memory_space<vmem>>
        %dma_start3A_957 = tpu.memref_squeeze %dma_start3A_956 : memref<1x64xi32, #tpu.memory_space<vmem>> -> memref<64xi32, #tpu.memory_space<vmem>>
        %dma_start3A_958 = arith.constant 0 : i32
        %dma_start3A_959 = arith.constant 0 : i32
        %dma_start3A_960 = tpu.memref_slice %arg12[%dma_start3A_958, %dma_start3A_959] : memref<1265x128xf32, #tpu.memory_space<vmem_shared>> -> memref<1265x128xf32, #tpu.memory_space<vmem_shared>>
        tpu.enqueue_indirect_dma source(%dma_start3A_960 : memref<1265x128xf32, #tpu.memory_space<vmem_shared>>) target(%dma_start3A_954 : memref<64x128xf32, #tpu.memory_space<vmem>>) offsets(%dma_start3A_957 : memref<64xi32, #tpu.memory_space<vmem>>) semaphore(%arg15 : memref<!tpu.dma_semaphore, #tpu.memory_space<semaphore_mem>>)
      } else {
      }
      %mul3A_751 = arith.constant 4 : i32
      %mul3A_752 = arith.muli %scan3A_636, %mul3A_751 : i32
      %add3A_753 = arith.constant 3 : i32
      %add3A_754 = arith.addi %mul3A_752, %add3A_753 : i32
      %dma_wait3A_755 = arith.constant 3 : i32
      %dma_wait3A_756 = arith.constant 0 : i32
      %dma_wait3A_757 = arith.constant 0 : i32
      %dma_wait3A_758 = tpu.memref_slice %arg11[%dma_wait3A_755, %dma_wait3A_756, %dma_wait3A_757] : memref<4x64x128xf32, #tpu.memory_space<vmem>> -> memref<1x64x128xf32, #tpu.memory_space<vmem>>
      %dma_wait3A_759 = tpu.memref_squeeze %dma_wait3A_758 : memref<1x64x128xf32, #tpu.memory_space<vmem>> -> memref<64x128xf32, #tpu.memory_space<vmem>>
      %dma_wait3A_760 = arith.constant 0 : i32
      %dma_wait3A_761 = tpu.memref_slice %arg10[%add3A_754, %dma_wait3A_760] : memref<128x64xi32, #tpu.memory_space<vmem>> -> memref<1x64xi32, #tpu.memory_space<vmem>>
      %dma_wait3A_762 = tpu.memref_squeeze %dma_wait3A_761 : memref<1x64xi32, #tpu.memory_space<vmem>> -> memref<64xi32, #tpu.memory_space<vmem>>
      %dma_wait3A_763 = arith.constant 0 : i32
      %dma_wait3A_764 = arith.constant 0 : i32
      %dma_wait3A_765 = tpu.memref_slice %arg12[%dma_wait3A_763, %dma_wait3A_764] : memref<1265x128xf32, #tpu.memory_space<vmem_shared>> -> memref<1265x128xf32, #tpu.memory_space<vmem_shared>>
      tpu.wait_indirect_dma semaphore(%arg16 : memref<!tpu.dma_semaphore, #tpu.memory_space<semaphore_mem>>) src(%dma_wait3A_765 : memref<1265x128xf32, #tpu.memory_space<vmem_shared>>) dst(%dma_wait3A_759 : memref<64x128xf32, #tpu.memory_space<vmem>>)
      %mul3A_766 = arith.constant 64 : i32
      %mul3A_767 = arith.muli %add3A_754, %mul3A_766 : i32
      %add3A_768 = arith.addi %mul3A_2, %mul3A_767 : i32
      %dma_start3A_769 = arith.constant 3 : i32
      %dma_start3A_770 = arith.constant 0 : i32
      %dma_start3A_771 = arith.constant 0 : i32
      %dma_start3A_772 = tpu.memref_slice %arg11[%dma_start3A_769, %dma_start3A_770, %dma_start3A_771] : memref<4x64x128xf32, #tpu.memory_space<vmem>> -> memref<1x64x128xf32, #tpu.memory_space<vmem>>
      %dma_start3A_773 = tpu.memref_squeeze %dma_start3A_772 : memref<1x64x128xf32, #tpu.memory_space<vmem>> -> memref<64x128xf32, #tpu.memory_space<vmem>>
      %dma_start3A_774 = arith.constant 0 : i32
      %dma_start3A_775 = tpu.memref_slice %arg6[%add3A_768, %dma_start3A_774] : memref<262144x128xf32, #tpu.memory_space<hbm>> -> memref<64x128xf32, #tpu.memory_space<hbm>>
      %dma_start3A_776 = arith.constant 0 : i32
      %dma_start3A_777 = tpu.memref_slice %arg6[%add3A_768, %dma_start3A_776] : memref<262144x128xf32, #tpu.memory_space<hbm>> -> memref<64x128xf32, #tpu.memory_space<hbm>>
      %dma_start3A_778 = arith.constant 0 : i32
      %dma_start3A_779 = arith.constant 0 : i32
      %dma_start3A_780 = tpu.memref_slice %arg11[%dma_start3A_769, %dma_start3A_778, %dma_start3A_779] : memref<4x64x128xf32, #tpu.memory_space<vmem>> -> memref<1x64x128xf32, #tpu.memory_space<vmem>>
      %dma_start3A_781 = tpu.memref_squeeze %dma_start3A_780 : memref<1x64x128xf32, #tpu.memory_space<vmem>> -> memref<64x128xf32, #tpu.memory_space<vmem>>
      tpu.enqueue_dma source(%dma_start3A_781 : memref<64x128xf32, #tpu.memory_space<vmem>>) target(%dma_start3A_777 : memref<64x128xf32, #tpu.memory_space<hbm>>) target_semaphore(%arg20 : memref<!tpu.dma_semaphore, #tpu.memory_space<semaphore_mem>>)
      %add3A_782 = arith.constant 4 : i32
      %add3A_783 = arith.addi %add3A_754, %add3A_782 : i32
      %lt3A_784 = arith.constant 128 : i32
      %lt3A_785 = arith.cmpi slt, %add3A_783, %lt3A_784 : i32
      %convert_element_type3A_786 = arith.extui %lt3A_785 : i1 to i32
      %cond3A_787 = arith.constant 0 : i32
      %cond3A_788 = arith.cmpi ne, %convert_element_type3A_786, %cond3A_787 : i32
      scf.if %cond3A_788 {
        %add3A_790 = arith.constant 4 : i32
        %add3A_791 = arith.addi %add3A_754, %add3A_790 : i32
        %mul3A_792 = arith.constant 64 : i32
        %mul3A_793 = arith.muli %add3A_791, %mul3A_792 : i32
        %add3A_794 = arith.constant 0 : i32
        %add3A_795 = arith.addi %mul3A_793, %add3A_794 : i32
        %get3A_796 = arith.index_cast %add3A_795 : i32 to index
        %get3A_797 = tpu.vector_load %arg7[%get3A_796] {strides = array<i32>} : memref<8192xi32, #tpu.memory_space<vmem>>, vector<16xi32>,
        %get3A_798 = vector.shape_cast %get3A_797 : vector<16xi32> to vector<16xi32>
        %get3A_799 = arith.index_cast %add3A_795 : i32 to index
        %get3A_800 = tpu.vector_load %arg8[%get3A_799] {strides = array<i32>} : memref<8192xi32, #tpu.memory_space<vmem>>, vector<16xi32>,
        %get3A_801 = vector.shape_cast %get3A_800 : vector<16xi32> to vector<16xi32>
        %get3A_802 = arith.index_cast %add3A_795 : i32 to index
        %get3A_803 = tpu.vector_load %arg9[%get3A_802] {strides = array<i32>} : memref<8192xi32, #tpu.memory_space<vmem>>, vector<16xi32>,
        %get3A_804 = vector.shape_cast %get3A_803 : vector<16xi32> to vector<16xi32>
        %add3A_805 = arith.constant 5 : i32
        %add3A_806 = vector.broadcast %add3A_805 : i32 to vector<16xi32>
        %add3A_807 = arith.addi %get3A_804, %add3A_806 : vector<16xi32>
        %jit3A_808 = arith.constant 0 : i32
        %jit3A_809 = arith.constant 10 : i32
        %max3A_810 = vector.broadcast %jit3A_808 : i32 to vector<16xi32>
        %max3A_811 = arith.maxsi %max3A_810, %add3A_807 : vector<16xi32>
        %min3A_812 = vector.broadcast %jit3A_809 : i32 to vector<16xi32>
        %min3A_813 = arith.minsi %min3A_812, %max3A_811 : vector<16xi32>
        %mul3A_814 = arith.constant 55 : i32
        %mul3A_815 = vector.broadcast %mul3A_814 : i32 to vector<16xi32>
        %mul3A_816 = arith.muli %get3A_798, %mul3A_815 : vector<16xi32>
        %mul3A_817 = arith.constant 11 : i32
        %mul3A_818 = vector.broadcast %mul3A_817 : i32 to vector<16xi32>
        %mul3A_819 = arith.muli %get3A_801, %mul3A_818 : vector<16xi32>
        %add3A_820 = arith.addi %mul3A_816, %mul3A_819 : vector<16xi32>
        %add3A_821 = arith.addi %add3A_820, %min3A_813 : vector<16xi32>
        %swap3A_822 = arith.index_cast %add3A_791 : i32 to index
        %swap3A_823 = arith.constant 0 : index
        %swap3A_824 = tpu.vector_load %arg10[%swap3A_822, %swap3A_823] {strides = array<i32>} : memref<128x64xi32, #tpu.memory_space<vmem>>, vector<1x16xi32>,
        %swap3A_825 = vector.shape_cast %swap3A_824 : vector<1x16xi32> to vector<16xi32>
        %swap3A_826 = vector.shape_cast %add3A_821 : vector<16xi32> to vector<1x16xi32>
        tpu.vector_store %arg10[%swap3A_822, %swap3A_823], %swap3A_826 {strides = array<i32>} : memref<128x64xi32, #tpu.memory_space<vmem>>, vector<1x16xi32>,
        %mul3A_827 = arith.constant 64 : i32
        %mul3A_828 = arith.muli %add3A_791, %mul3A_827 : i32
        %add3A_829 = arith.constant 16 : i32
        %add3A_830 = arith.addi %mul3A_828, %add3A_829 : i32
        %get3A_831 = arith.index_cast %add3A_830 : i32 to index
        %get3A_832 = tpu.vector_load %arg7[%get3A_831] {strides = array<i32>} : memref<8192xi32, #tpu.memory_space<vmem>>, vector<16xi32>,
        %get3A_833 = vector.shape_cast %get3A_832 : vector<16xi32> to vector<16xi32>
        %get3A_834 = arith.index_cast %add3A_830 : i32 to index
        %get3A_835 = tpu.vector_load %arg8[%get3A_834] {strides = array<i32>} : memref<8192xi32, #tpu.memory_space<vmem>>, vector<16xi32>,
        %get3A_836 = vector.shape_cast %get3A_835 : vector<16xi32> to vector<16xi32>
        %get3A_837 = arith.index_cast %add3A_830 : i32 to index
        %get3A_838 = tpu.vector_load %arg9[%get3A_837] {strides = array<i32>} : memref<8192xi32, #tpu.memory_space<vmem>>, vector<16xi32>,
        %get3A_839 = vector.shape_cast %get3A_838 : vector<16xi32> to vector<16xi32>
        %add3A_840 = arith.constant 5 : i32
        %add3A_841 = vector.broadcast %add3A_840 : i32 to vector<16xi32>
        %add3A_842 = arith.addi %get3A_839, %add3A_841 : vector<16xi32>
        %jit3A_843 = arith.constant 0 : i32
        %jit3A_844 = arith.constant 10 : i32
        %max3A_845 = vector.broadcast %jit3A_843 : i32 to vector<16xi32>
        %max3A_846 = arith.maxsi %max3A_845, %add3A_842 : vector<16xi32>
        %min3A_847 = vector.broadcast %jit3A_844 : i32 to vector<16xi32>
        %min3A_848 = arith.minsi %min3A_847, %max3A_846 : vector<16xi32>
        %mul3A_849 = arith.constant 55 : i32
        %mul3A_850 = vector.broadcast %mul3A_849 : i32 to vector<16xi32>
        %mul3A_851 = arith.muli %get3A_833, %mul3A_850 : vector<16xi32>
        %mul3A_852 = arith.constant 11 : i32
        %mul3A_853 = vector.broadcast %mul3A_852 : i32 to vector<16xi32>
        %mul3A_854 = arith.muli %get3A_836, %mul3A_853 : vector<16xi32>
        %add3A_855 = arith.addi %mul3A_851, %mul3A_854 : vector<16xi32>
        %add3A_856 = arith.addi %add3A_855, %min3A_848 : vector<16xi32>
        %swap3A_857 = arith.index_cast %add3A_791 : i32 to index
        %swap3A_858 = arith.constant 16 : index
        %swap3A_859 = tpu.vector_load %arg10[%swap3A_857, %swap3A_858] {strides = array<i32>} : memref<128x64xi32, #tpu.memory_space<vmem>>, vector<1x16xi32>,
        %swap3A_860 = vector.shape_cast %swap3A_859 : vector<1x16xi32> to vector<16xi32>
        %swap3A_861 = vector.shape_cast %add3A_856 : vector<16xi32> to vector<1x16xi32>
        tpu.vector_store %arg10[%swap3A_857, %swap3A_858], %swap3A_861 {strides = array<i32>} : memref<128x64xi32, #tpu.memory_space<vmem>>, vector<1x16xi32>,
        %mul3A_862 = arith.constant 64 : i32
        %mul3A_863 = arith.muli %add3A_791, %mul3A_862 : i32
        %add3A_864 = arith.constant 32 : i32
        %add3A_865 = arith.addi %mul3A_863, %add3A_864 : i32
        %get3A_866 = arith.index_cast %add3A_865 : i32 to index
        %get3A_867 = tpu.vector_load %arg7[%get3A_866] {strides = array<i32>} : memref<8192xi32, #tpu.memory_space<vmem>>, vector<16xi32>,
        %get3A_868 = vector.shape_cast %get3A_867 : vector<16xi32> to vector<16xi32>
        %get3A_869 = arith.index_cast %add3A_865 : i32 to index
        %get3A_870 = tpu.vector_load %arg8[%get3A_869] {strides = array<i32>} : memref<8192xi32, #tpu.memory_space<vmem>>, vector<16xi32>,
        %get3A_871 = vector.shape_cast %get3A_870 : vector<16xi32> to vector<16xi32>
        %get3A_872 = arith.index_cast %add3A_865 : i32 to index
        %get3A_873 = tpu.vector_load %arg9[%get3A_872] {strides = array<i32>} : memref<8192xi32, #tpu.memory_space<vmem>>, vector<16xi32>,
        %get3A_874 = vector.shape_cast %get3A_873 : vector<16xi32> to vector<16xi32>
        %add3A_875 = arith.constant 5 : i32
        %add3A_876 = vector.broadcast %add3A_875 : i32 to vector<16xi32>
        %add3A_877 = arith.addi %get3A_874, %add3A_876 : vector<16xi32>
        %jit3A_878 = arith.constant 0 : i32
        %jit3A_879 = arith.constant 10 : i32
        %max3A_880 = vector.broadcast %jit3A_878 : i32 to vector<16xi32>
        %max3A_881 = arith.maxsi %max3A_880, %add3A_877 : vector<16xi32>
        %min3A_882 = vector.broadcast %jit3A_879 : i32 to vector<16xi32>
        %min3A_883 = arith.minsi %min3A_882, %max3A_881 : vector<16xi32>
        %mul3A_884 = arith.constant 55 : i32
        %mul3A_885 = vector.broadcast %mul3A_884 : i32 to vector<16xi32>
        %mul3A_886 = arith.muli %get3A_868, %mul3A_885 : vector<16xi32>
        %mul3A_887 = arith.constant 11 : i32
        %mul3A_888 = vector.broadcast %mul3A_887 : i32 to vector<16xi32>
        %mul3A_889 = arith.muli %get3A_871, %mul3A_888 : vector<16xi32>
        %add3A_890 = arith.addi %mul3A_886, %mul3A_889 : vector<16xi32>
        %add3A_891 = arith.addi %add3A_890, %min3A_883 : vector<16xi32>
        %swap3A_892 = arith.index_cast %add3A_791 : i32 to index
        %swap3A_893 = arith.constant 32 : index
        %swap3A_894 = tpu.vector_load %arg10[%swap3A_892, %swap3A_893] {strides = array<i32>} : memref<128x64xi32, #tpu.memory_space<vmem>>, vector<1x16xi32>,
        %swap3A_895 = vector.shape_cast %swap3A_894 : vector<1x16xi32> to vector<16xi32>
        %swap3A_896 = vector.shape_cast %add3A_891 : vector<16xi32> to vector<1x16xi32>
        tpu.vector_store %arg10[%swap3A_892, %swap3A_893], %swap3A_896 {strides = array<i32>} : memref<128x64xi32, #tpu.memory_space<vmem>>, vector<1x16xi32>,
        %mul3A_897 = arith.constant 64 : i32
        %mul3A_898 = arith.muli %add3A_791, %mul3A_897 : i32
        %add3A_899 = arith.constant 48 : i32
        %add3A_900 = arith.addi %mul3A_898, %add3A_899 : i32
        %get3A_901 = arith.index_cast %add3A_900 : i32 to index
        %get3A_902 = tpu.vector_load %arg7[%get3A_901] {strides = array<i32>} : memref<8192xi32, #tpu.memory_space<vmem>>, vector<16xi32>,
        %get3A_903 = vector.shape_cast %get3A_902 : vector<16xi32> to vector<16xi32>
        %get3A_904 = arith.index_cast %add3A_900 : i32 to index
        %get3A_905 = tpu.vector_load %arg8[%get3A_904] {strides = array<i32>} : memref<8192xi32, #tpu.memory_space<vmem>>, vector<16xi32>,
        %get3A_906 = vector.shape_cast %get3A_905 : vector<16xi32> to vector<16xi32>
        %get3A_907 = arith.index_cast %add3A_900 : i32 to index
        %get3A_908 = tpu.vector_load %arg9[%get3A_907] {strides = array<i32>} : memref<8192xi32, #tpu.memory_space<vmem>>, vector<16xi32>,
        %get3A_909 = vector.shape_cast %get3A_908 : vector<16xi32> to vector<16xi32>
        %add3A_910 = arith.constant 5 : i32
        %add3A_911 = vector.broadcast %add3A_910 : i32 to vector<16xi32>
        %add3A_912 = arith.addi %get3A_909, %add3A_911 : vector<16xi32>
        %jit3A_913 = arith.constant 0 : i32
        %jit3A_914 = arith.constant 10 : i32
        %max3A_915 = vector.broadcast %jit3A_913 : i32 to vector<16xi32>
        %max3A_916 = arith.maxsi %max3A_915, %add3A_912 : vector<16xi32>
        %min3A_917 = vector.broadcast %jit3A_914 : i32 to vector<16xi32>
        %min3A_918 = arith.minsi %min3A_917, %max3A_916 : vector<16xi32>
        %mul3A_919 = arith.constant 55 : i32
        %mul3A_920 = vector.broadcast %mul3A_919 : i32 to vector<16xi32>
        %mul3A_921 = arith.muli %get3A_903, %mul3A_920 : vector<16xi32>
        %mul3A_922 = arith.constant 11 : i32
        %mul3A_923 = vector.broadcast %mul3A_922 : i32 to vector<16xi32>
        %mul3A_924 = arith.muli %get3A_906, %mul3A_923 : vector<16xi32>
        %add3A_925 = arith.addi %mul3A_921, %mul3A_924 : vector<16xi32>
        %add3A_926 = arith.addi %add3A_925, %min3A_918 : vector<16xi32>
        %swap3A_927 = arith.index_cast %add3A_791 : i32 to index
        %swap3A_928 = arith.constant 48 : index
        %swap3A_929 = tpu.vector_load %arg10[%swap3A_927, %swap3A_928] {strides = array<i32>} : memref<128x64xi32, #tpu.memory_space<vmem>>, vector<1x16xi32>,
        %swap3A_930 = vector.shape_cast %swap3A_929 : vector<1x16xi32> to vector<16xi32>
        %swap3A_931 = vector.shape_cast %add3A_926 : vector<16xi32> to vector<1x16xi32>
        tpu.vector_store %arg10[%swap3A_927, %swap3A_928], %swap3A_931 {strides = array<i32>} : memref<128x64xi32, #tpu.memory_space<vmem>>, vector<1x16xi32>,
        %mul3A_932 = arith.constant 64 : i32
        %mul3A_933 = arith.muli %add3A_754, %mul3A_932 : i32
        %add3A_934 = arith.addi %mul3A_2, %mul3A_933 : i32
        %dma_wait3A_935 = arith.constant 3 : i32
        %dma_wait3A_936 = arith.constant 0 : i32
        %dma_wait3A_937 = arith.constant 0 : i32
        %dma_wait3A_938 = tpu.memref_slice %arg11[%dma_wait3A_935, %dma_wait3A_936, %dma_wait3A_937] : memref<4x64x128xf32, #tpu.memory_space<vmem>> -> memref<1x64x128xf32, #tpu.memory_space<vmem>>
        %dma_wait3A_939 = tpu.memref_squeeze %dma_wait3A_938 : memref<1x64x128xf32, #tpu.memory_space<vmem>> -> memref<64x128xf32, #tpu.memory_space<vmem>>
        %dma_wait3A_940 = arith.constant 0 : i32
        %dma_wait3A_941 = tpu.memref_slice %arg6[%add3A_934, %dma_wait3A_940] : memref<262144x128xf32, #tpu.memory_space<hbm>> -> memref<64x128xf32, #tpu.memory_space<hbm>>
        %dma_wait3A_942 = arith.constant 0 : i32
        %dma_wait3A_943 = tpu.memref_slice %arg6[%add3A_934, %dma_wait3A_942] : memref<262144x128xf32, #tpu.memory_space<hbm>> -> memref<64x128xf32, #tpu.memory_space<hbm>>
        %dma_wait3A_944 = arith.constant 0 : i32
        %dma_wait3A_945 = arith.constant 0 : i32
        %dma_wait3A_946 = tpu.memref_slice %arg11[%dma_wait3A_935, %dma_wait3A_944, %dma_wait3A_945] : memref<4x64x128xf32, #tpu.memory_space<vmem>> -> memref<1x64x128xf32, #tpu.memory_space<vmem>>
        %dma_wait3A_947 = tpu.memref_squeeze %dma_wait3A_946 : memref<1x64x128xf32, #tpu.memory_space<vmem>> -> memref<64x128xf32, #tpu.memory_space<vmem>>
        tpu.wait_dma2 semaphore(%arg20 : memref<!tpu.dma_semaphore, #tpu.memory_space<semaphore_mem>>) src(%dma_wait3A_947 : memref<64x128xf32, #tpu.memory_space<vmem>>) dst(%dma_wait3A_943 : memref<64x128xf32, #tpu.memory_space<hbm>>)
        %add3A_948 = arith.constant 4 : i32
        %add3A_949 = arith.addi %add3A_754, %add3A_948 : i32
        %dma_start3A_950 = arith.constant 3 : i32
        %dma_start3A_951 = arith.constant 0 : i32
        %dma_start3A_952 = arith.constant 0 : i32
        %dma_start3A_953 = tpu.memref_slice %arg11[%dma_start3A_950, %dma_start3A_951, %dma_start3A_952] : memref<4x64x128xf32, #tpu.memory_space<vmem>> -> memref<1x64x128xf32, #tpu.memory_space<vmem>>
        %dma_start3A_954 = tpu.memref_squeeze %dma_start3A_953 : memref<1x64x128xf32, #tpu.memory_space<vmem>> -> memref<64x128xf32, #tpu.memory_space<vmem>>
        %dma_start3A_955 = arith.constant 0 : i32
        %dma_start3A_956 = tpu.memref_slice %arg10[%add3A_949, %dma_start3A_955] : memref<128x64xi32, #tpu.memory_space<vmem>> -> memref<1x64xi32, #tpu.memory_space<vmem>>
        %dma_start3A_957 = tpu.memref_squeeze %dma_start3A_956 : memref<1x64xi32, #tpu.memory_space<vmem>> -> memref<64xi32, #tpu.memory_space<vmem>>
        %dma_start3A_958 = arith.constant 0 : i32
        %dma_start3A_959 = arith.constant 0 : i32
        %dma_start3A_960 = tpu.memref_slice %arg12[%dma_start3A_958, %dma_start3A_959] : memref<1265x128xf32, #tpu.memory_space<vmem_shared>> -> memref<1265x128xf32, #tpu.memory_space<vmem_shared>>
        tpu.enqueue_indirect_dma source(%dma_start3A_960 : memref<1265x128xf32, #tpu.memory_space<vmem_shared>>) target(%dma_start3A_954 : memref<64x128xf32, #tpu.memory_space<vmem>>) offsets(%dma_start3A_957 : memref<64xi32, #tpu.memory_space<vmem>>) semaphore(%arg16 : memref<!tpu.dma_semaphore, #tpu.memory_space<semaphore_mem>>)
      } else {
      }
      %scan3A_789 = arith.constant 0 : i32
      scf.yield %scan3A_789 : i32
    }
    %scan3A_575 = arith.constant 32 : i32
    %add3A_576 = arith.constant 7936 : i32
    %add3A_577 = arith.addi %mul3A_2, %add3A_576 : i32
    %dma_wait3A_578 = arith.constant 0 : i32
    %dma_wait3A_579 = arith.constant 0 : i32
    %dma_wait3A_580 = arith.constant 0 : i32
    %dma_wait3A_581 = tpu.memref_slice %arg11[%dma_wait3A_578, %dma_wait3A_579, %dma_wait3A_580] : memref<4x64x128xf32, #tpu.memory_space<vmem>> -> memref<1x64x128xf32, #tpu.memory_space<vmem>>
    %dma_wait3A_582 = tpu.memref_squeeze %dma_wait3A_581 : memref<1x64x128xf32, #tpu.memory_space<vmem>> -> memref<64x128xf32, #tpu.memory_space<vmem>>
    %dma_wait3A_583 = arith.constant 0 : i32
    %dma_wait3A_584 = tpu.memref_slice %arg6[%add3A_577, %dma_wait3A_583] : memref<262144x128xf32, #tpu.memory_space<hbm>> -> memref<64x128xf32, #tpu.memory_space<hbm>>
    %dma_wait3A_585 = arith.constant 0 : i32
    %dma_wait3A_586 = tpu.memref_slice %arg6[%add3A_577, %dma_wait3A_585] : memref<262144x128xf32, #tpu.memory_space<hbm>> -> memref<64x128xf32, #tpu.memory_space<hbm>>
    %dma_wait3A_587 = arith.constant 0 : i32
    %dma_wait3A_588 = arith.constant 0 : i32
    %dma_wait3A_589 = tpu.memref_slice %arg11[%dma_wait3A_578, %dma_wait3A_587, %dma_wait3A_588] : memref<4x64x128xf32, #tpu.memory_space<vmem>> -> memref<1x64x128xf32, #tpu.memory_space<vmem>>
    %dma_wait3A_590 = tpu.memref_squeeze %dma_wait3A_589 : memref<1x64x128xf32, #tpu.memory_space<vmem>> -> memref<64x128xf32, #tpu.memory_space<vmem>>
    tpu.wait_dma2 semaphore(%arg17 : memref<!tpu.dma_semaphore, #tpu.memory_space<semaphore_mem>>) src(%dma_wait3A_590 : memref<64x128xf32, #tpu.memory_space<vmem>>) dst(%dma_wait3A_586 : memref<64x128xf32, #tpu.memory_space<hbm>>)
    %add3A_591 = arith.constant 8000 : i32
    %add3A_592 = arith.addi %mul3A_2, %add3A_591 : i32
    %dma_wait3A_593 = arith.constant 1 : i32
    %dma_wait3A_594 = arith.constant 0 : i32
    %dma_wait3A_595 = arith.constant 0 : i32
    %dma_wait3A_596 = tpu.memref_slice %arg11[%dma_wait3A_593, %dma_wait3A_594, %dma_wait3A_595] : memref<4x64x128xf32, #tpu.memory_space<vmem>> -> memref<1x64x128xf32, #tpu.memory_space<vmem>>
    %dma_wait3A_597 = tpu.memref_squeeze %dma_wait3A_596 : memref<1x64x128xf32, #tpu.memory_space<vmem>> -> memref<64x128xf32, #tpu.memory_space<vmem>>
    %dma_wait3A_598 = arith.constant 0 : i32
    %dma_wait3A_599 = tpu.memref_slice %arg6[%add3A_592, %dma_wait3A_598] : memref<262144x128xf32, #tpu.memory_space<hbm>> -> memref<64x128xf32, #tpu.memory_space<hbm>>
    %dma_wait3A_600 = arith.constant 0 : i32
    %dma_wait3A_601 = tpu.memref_slice %arg6[%add3A_592, %dma_wait3A_600] : memref<262144x128xf32, #tpu.memory_space<hbm>> -> memref<64x128xf32, #tpu.memory_space<hbm>>
    %dma_wait3A_602 = arith.constant 0 : i32
    %dma_wait3A_603 = arith.constant 0 : i32
    %dma_wait3A_604 = tpu.memref_slice %arg11[%dma_wait3A_593, %dma_wait3A_602, %dma_wait3A_603] : memref<4x64x128xf32, #tpu.memory_space<vmem>> -> memref<1x64x128xf32, #tpu.memory_space<vmem>>
    %dma_wait3A_605 = tpu.memref_squeeze %dma_wait3A_604 : memref<1x64x128xf32, #tpu.memory_space<vmem>> -> memref<64x128xf32, #tpu.memory_space<vmem>>
    tpu.wait_dma2 semaphore(%arg18 : memref<!tpu.dma_semaphore, #tpu.memory_space<semaphore_mem>>) src(%dma_wait3A_605 : memref<64x128xf32, #tpu.memory_space<vmem>>) dst(%dma_wait3A_601 : memref<64x128xf32, #tpu.memory_space<hbm>>)
    %add3A_606 = arith.constant 8064 : i32
    %add3A_607 = arith.addi %mul3A_2, %add3A_606 : i32
    %dma_wait3A_608 = arith.constant 2 : i32
    %dma_wait3A_609 = arith.constant 0 : i32
    %dma_wait3A_610 = arith.constant 0 : i32
    %dma_wait3A_611 = tpu.memref_slice %arg11[%dma_wait3A_608, %dma_wait3A_609, %dma_wait3A_610] : memref<4x64x128xf32, #tpu.memory_space<vmem>> -> memref<1x64x128xf32, #tpu.memory_space<vmem>>
    %dma_wait3A_612 = tpu.memref_squeeze %dma_wait3A_611 : memref<1x64x128xf32, #tpu.memory_space<vmem>> -> memref<64x128xf32, #tpu.memory_space<vmem>>
    %dma_wait3A_613 = arith.constant 0 : i32
    %dma_wait3A_614 = tpu.memref_slice %arg6[%add3A_607, %dma_wait3A_613] : memref<262144x128xf32, #tpu.memory_space<hbm>> -> memref<64x128xf32, #tpu.memory_space<hbm>>
    %dma_wait3A_615 = arith.constant 0 : i32
    %dma_wait3A_616 = tpu.memref_slice %arg6[%add3A_607, %dma_wait3A_615] : memref<262144x128xf32, #tpu.memory_space<hbm>> -> memref<64x128xf32, #tpu.memory_space<hbm>>
    %dma_wait3A_617 = arith.constant 0 : i32
    %dma_wait3A_618 = arith.constant 0 : i32
    %dma_wait3A_619 = tpu.memref_slice %arg11[%dma_wait3A_608, %dma_wait3A_617, %dma_wait3A_618] : memref<4x64x128xf32, #tpu.memory_space<vmem>> -> memref<1x64x128xf32, #tpu.memory_space<vmem>>
    %dma_wait3A_620 = tpu.memref_squeeze %dma_wait3A_619 : memref<1x64x128xf32, #tpu.memory_space<vmem>> -> memref<64x128xf32, #tpu.memory_space<vmem>>
    tpu.wait_dma2 semaphore(%arg19 : memref<!tpu.dma_semaphore, #tpu.memory_space<semaphore_mem>>) src(%dma_wait3A_620 : memref<64x128xf32, #tpu.memory_space<vmem>>) dst(%dma_wait3A_616 : memref<64x128xf32, #tpu.memory_space<hbm>>)
    %add3A_621 = arith.constant 8128 : i32
    %add3A_622 = arith.addi %mul3A_2, %add3A_621 : i32
    %dma_wait3A_623 = arith.constant 3 : i32
    %dma_wait3A_624 = arith.constant 0 : i32
    %dma_wait3A_625 = arith.constant 0 : i32
    %dma_wait3A_626 = tpu.memref_slice %arg11[%dma_wait3A_623, %dma_wait3A_624, %dma_wait3A_625] : memref<4x64x128xf32, #tpu.memory_space<vmem>> -> memref<1x64x128xf32, #tpu.memory_space<vmem>>
    %dma_wait3A_627 = tpu.memref_squeeze %dma_wait3A_626 : memref<1x64x128xf32, #tpu.memory_space<vmem>> -> memref<64x128xf32, #tpu.memory_space<vmem>>
    %dma_wait3A_628 = arith.constant 0 : i32
    %dma_wait3A_629 = tpu.memref_slice %arg6[%add3A_622, %dma_wait3A_628] : memref<262144x128xf32, #tpu.memory_space<hbm>> -> memref<64x128xf32, #tpu.memory_space<hbm>>
    %dma_wait3A_630 = arith.constant 0 : i32
    %dma_wait3A_631 = tpu.memref_slice %arg6[%add3A_622, %dma_wait3A_630] : memref<262144x128xf32, #tpu.memory_space<hbm>> -> memref<64x128xf32, #tpu.memory_space<hbm>>
    %dma_wait3A_632 = arith.constant 0 : i32
    %dma_wait3A_633 = arith.constant 0 : i32
    %dma_wait3A_634 = tpu.memref_slice %arg11[%dma_wait3A_623, %dma_wait3A_632, %dma_wait3A_633] : memref<4x64x128xf32, #tpu.memory_space<vmem>> -> memref<1x64x128xf32, #tpu.memory_space<vmem>>
    %dma_wait3A_635 = tpu.memref_squeeze %dma_wait3A_634 : memref<1x64x128xf32, #tpu.memory_space<vmem>> -> memref<64x128xf32, #tpu.memory_space<vmem>>
    tpu.wait_dma2 semaphore(%arg20 : memref<!tpu.dma_semaphore, #tpu.memory_space<semaphore_mem>>) src(%dma_wait3A_635 : memref<64x128xf32, #tpu.memory_space<vmem>>) dst(%dma_wait3A_631 : memref<64x128xf32, #tpu.memory_space<hbm>>)
    return
  }
}

</mosaic_0001>

<sc_bundles>
// kernel: _sc_lookup.3.cloned.1.call-start
scs
__scs_entry_jumppad:
0x0: {  	(pc) =	sbr.rel $0x88, $3  }
0x1: {  	(tag) =	ssettag $0x0;
	lr =	simm.s32 $0x1  }
0x2: {  	[smem:$0x3F9D] =	sst lr;
	_ =	strace $0xD0000000  }
0x3: {  	_ = 	snop  }
0x4: {  	_ = 	snop  }
0x5: {  	_ = 	snop  }
0x6: {  	_ = 	snop  }
0x7: {  	_ = 	snop  }
__scs_overlays_trampoline_lowered:
0x8: {  	[smem:$0x3FAC] =	sst s0  }
0x9: {  	[smem:$0x3FAD] =	sst s1  }
0xa: {  	[smem:$0x3FAE] =	sst s2  }
0xb: {  	[smem:$0x3FAF] =	sst s3  }
0xc: {  	[smem:$0x3FB0] =	sst s4  }
0xd: {  	[smem:$0x3FB1] =	sst s5  }
0xe: {  	[smem:$0x3FB2] =	sst s6  }
0xf: {  	[smem:$0x3FB3] =	sst s7  }
0x10: {  	[smem:$0x3FB4] =	sst s8  }
0x11: {  	[smem:$0x3FB5] =	sst s9;
	s0 =	simm.s32 @!p0 $0x0  }
0x12: {  	s1 =	sld [smem:$0x3F9B];
	s0 =	simm.s32 @p0 $0x1  }
0x13: {  	[smem:$0x3FB6] =	sst s0;
	s0 =	simm.s32 @!p1 $0x0  }
0x14: {  	s2 =	sld [smem:$0x3F9A];
	s0 =	simm.s32 @p1 $0x1  }
0x15: {  	[smem:$0x3FB7] =	sst s0;
	s0 =	simm.s32 @!p2 $0x0  }
0x16: {  	s3 =	sld [smem:$0x3FDB];
	s0 =	simm.s32 @p2 $0x1  }
0x17: {  	s4 =	simm.s32 $0x1BF5;
	[smem:$0x3FB9] =	sst s0  }
0x18: {  	s0 =	sld [smem:$0x3F9C];
	_ =	swait.ge [sflag:s4], $0x0  }
0x19: {  	s7 =	sld [smem:$0x3F9D]  }
0x1a: {  	s8 =	sadd.s32 $0xFFFFE003, lr  }
0x1b: {  	s9 =	sadd.s32 $0xFFFFFEF7, lr;
	s5 =	simm.s32 $0xFFFFFFFF;
	p2 =	slt.u32 s8, $0xFFFFF086  }
0x1c: {  	p1 =	slt.u32 s9, $0xF7A;
	s5 =	simm.s32 @!p2 $0x0  }
0x1d: {  	s5 =	simm.s32 @p1 $0x1;
	p0 =	seq.s32 s7, s2  }
0x1e: {  	s7 =	smul.u32 @!p0 $0xF7A, s2;
	p2 =	seq.s32 @!p0 s5, $0x0  }
0x1f: {  	s9 =	smul.u32 $0xF7A, s1;
	s8 =	simm.s32 @!p0 $0x1BF5;
	p2 =	por !p2, p0  }
0x20: {  	[sflag:s8] =	ssyncset.s32 @!p0 $0xFFFFF086;
	s6 =	sadd.s32 @!p0 s3, s7;
	s7 =	simm.s32 @!p0 $0x108  }
0x21: {  	s3 =	sadd.s32 s3, s9;
	s6 =	sadd.s32 @!p0 $0x88, s6;
	s7 =	simm.s32 @p2 $0x1082  }
0x22: {  	[simem:s7], [sflag:s8] =	dma.local @!p0 [hbm:s6], $0xF7A  }
0x23: {  	s9 =	sor.u32 $0xD0000000, s2;
	s6 =	simm.s32 $0x108;
	_ =	swait.ge @!p0 [sflag:s8], $0x0  }
0x24: {  	s3 =	sadd.s32 $0x88, s3;
	s6 =	simm.s32 @!p1 $0x1082;
	[sflag:s4] =	ssyncset.s32 $0xFFFFF086  }
0x25: {  	[simem:s6], [sflag:s4] =	dma.local [hbm:s3], $0xF7A  }
0x26: {  	[smem:$0x3F9D] =	sst s1;
	(tag) =	ssettag s2;
	_ =	strace s9  }
0x27: {  	s1 =	sld [smem:$0x3FAD]  }
0x28: {  	s2 =	sld [smem:$0x3FAE]  }
0x29: {  	s4 =	sld [smem:$0x3FB0]  }
0x2a: {  	p0 =	seq.s32 s5, $0x0;
	s5 =	sld [smem:$0x3FB1]  }
0x2b: {  	s6 =	sld [smem:$0x3FB2]  }
0x2c: {  	s7 =	sld [smem:$0x3FB3]  }
0x2d: {  	s3 =	simm.s32 $0x108;
	s8 =	sld [smem:$0x3FB4]  }
0x2e: {  	s3 =	simm.s32 @!p0 $0x1082;
	s9 =	sld [smem:$0x3FB5]  }
0x2f: {  	lr =	sadd.s32 s0, s3;
	s0 =	sld [smem:$0x3FAC]  }
0x30: {  	s3 =	sld [smem:$0x3FAF]  }
0x31: {  	[smem:$0x3FB8] =	sst s10  }
0x32: {  	s10 =	sld [smem:$0x3FB6];
	_ =	sdelay $0x3  }
0x33: {  	p0 =	seq.s32 s10, $0x1;
	s10 =	sld [smem:$0x3FB8];
	_ =	sdelay $0x3  }
0x34: {  	[smem:$0x3FB8] =	sst s10  }
0x35: {  	s10 =	sld [smem:$0x3FB7];
	_ =	sdelay $0x3  }
0x36: {  	p1 =	seq.s32 s10, $0x1;
	s10 =	sld [smem:$0x3FB8];
	_ =	sdelay $0x3  }
0x37: {  	[smem:$0x3FB8] =	sst s10  }
0x38: {  	s10 =	sld [smem:$0x3FB9]  }
0x39: {  	_ = 	snop;
	(pc) =	sbr.ind lr, $3  }
0x3a: {  	_ = 	snop  }
0x3b: {  	_ = 	snop  }
0x3c: {  	p2 =	seq.s32 s10, $0x1;
	s10 =	sld [smem:$0x3FB8]  }
0x3d: {  	_ =	shalt  }
0x3e: {  	_ =	shalt  }
0x3f: {  	_ =	shalt  }
0x40: {  	_ =	shalt  }
0x41: {  	_ =	shalt  }
0x42: {  	_ =	shalt  }
0x43: {  	_ =	shalt  }
0x44: {  	_ =	shalt  }
0x45: {  	_ =	shalt  }
0x46: {  	_ =	shalt  }
0x47: {  	_ =	shalt  }
0x48: {  	_ =	shalt  }
0x49: {  	_ =	shalt  }
0x4a: {  	_ =	shalt  }
0x4b: {  	_ =	shalt  }
0x4c: {  	_ =	shalt  }
0x4d: {  	_ =	shalt  }
0x4e: {  	_ =	shalt  }
0x4f: {  	_ =	shalt  }
0x50: {  	_ =	shalt  }
0x51: {  	_ =	shalt  }
0x52: {  	_ =	shalt  }
0x53: {  	_ =	shalt  }
0x54: {  	_ =	shalt  }
0x55: {  	_ =	shalt  }
0x56: {  	_ =	shalt  }
0x57: {  	_ =	shalt  }
0x58: {  	_ =	shalt  }
0x59: {  	_ =	shalt  }
0x5a: {  	_ =	shalt  }
0x5b: {  	_ =	shalt  }
0x5c: {  	_ =	shalt  }
0x5d: {  	_ =	shalt  }
0x5e: {  	_ =	shalt  }
0x5f: {  	_ =	shalt  }
0x60: {  	_ =	shalt  }
0x61: {  	_ =	shalt  }
0x62: {  	_ =	shalt  }
0x63: {  	_ =	shalt  }
0x64: {  	_ =	shalt  }
0x65: {  	_ =	shalt  }
0x66: {  	_ =	shalt  }
0x67: {  	_ =	shalt  }
0x68: {  	_ =	shalt  }
0x69: {  	_ =	shalt  }
0x6a: {  	_ =	shalt  }
0x6b: {  	_ =	shalt  }
0x6c: {  	_ =	shalt  }
0x6d: {  	_ =	shalt  }
0x6e: {  	_ =	shalt  }
0x6f: {  	_ =	shalt  }
0x70: {  	_ =	shalt  }
0x71: {  	_ =	shalt  }
0x72: {  	_ =	shalt  }
0x73: {  	_ =	shalt  }
0x74: {  	_ =	shalt  }
0x75: {  	_ =	shalt  }
0x76: {  	_ =	shalt  }
0x77: {  	_ =	shalt  }
0x78: {  	_ =	shalt  }
0x79: {  	_ =	shalt  }
0x7a: {  	_ =	shalt  }
0x7b: {  	_ =	shalt  }
0x7c: {  	_ =	shalt  }
0x7d: {  	_ =	shalt  }
0x7e: {  	_ =	shalt  }
0x7f: {  	_ =	shalt  }
0x80: {  	_ =	shalt  }
0x81: {  	_ =	shalt  }
0x82: {  	_ =	shalt  }
0x83: {  	_ =	shalt  }
0x84: {  	_ =	shalt  }
0x85: {  	_ =	shalt  }
0x86: {  	_ =	shalt  }
0x87: {  	_ =	shalt  }
.Lfunc_end0:
.L_simem_size_0:
called_computation_lowered:
.L_overlay_start_0:
0x88: {  	s2 =	sld [smem:$0x3FD9]  }
0x89: {  	s3 =	sld [smem:$0x3FFE];
	_ =	sdelay $0x1  }
0x8a: {  	s1 =	srdreg.scid  }
0x8b: {  	s0 =	sand.u32 $0x1, s1  }
0x8c: {  	s18 =	sshll.u32 s0, $0xA;
	s2 =	sadd.s32 s3, s2  }
0x8d: {  	s2 =	sadd.s32 s2, s18  }
0x8e: {  	[smem:$0x3FC4] =	sst s2  }
0x8f: {  	_ = 	snop  }
0x90: {  	s2 =	sld [smem:$0x3FC9]  }
0x91: {  	s19 =	sld [smem:$0x3FC8]  }
0x92: {  	s4 =	sld [smem:$0x3FC7]  }
0x93: {  	s5 =	sld [smem:$0x3FC6]  }
0x94: {  	s6 =	sld [smem:$0x3FD0];
	(tm) =	ssettm $0x1  }
0x95: {  	s7 =	sld [smem:$0x3FFB];
	_ =	sdelay $0x3  }
0x96: {  	_ =	strace s7  }
0x97: {  	s7 =	sld [smem:$0x3FFC];
	_ =	sdelay $0x3  }
0x98: {  	_ =	strace s7  }
0x99: {  	s7 =	sld [smem:$0x3FFD];
	_ =	sdelay $0x3  }
0x9a: {  	_ =	strace s7  }
0x9b: {  	_ =	strace $0x8FFFFFFF  }
0x9c: {  	s20 =	sld [smem:$0x3FDB];
	_ =	sdelay $0x1  }
0x9d: {  	s8 =	simm.s32 $_scs_section_size  }
0x9e: {  	s9 =	simm.s32 $_size__tile_overlayer_lowered;
	s10 =	simm.s32 $_tile_overlayer_lowered  }
0x9f: {  	s23 =	simm.s32 $0x1BFF;
	s22 =	sshll.u32 s10, $0x1;
	s7 =	sadd.s32 s8, s20  }
0xa0: {  	s11 =	simm.s32 $0x0;
	s21 =	sshll.u32 s9, $0x1;
	s9 =	sadd.s32 s22, s7  }
0xa1: {  	[timem:s11], [sflag:s23] =	dma.local [hbm:s9], s21  }
0xa2: {  	_ =	swait.ge [sflag:s23], s21  }
0xa3: {  	s8 =	ssub.s32 $0x0, s21;
	[sflag:s23] =	ssyncset.done $0x0  }
0xa4: {  	[sflag:s23] =	ssyncadd.s32 s8;
	_ =	sdelay $0x1  }
0xa5: {  	s24 =	simm.s32 $0x1B8B  }
0xa6: {  	_ =	swait.ge [sflag:s24], $0x1  }
0xa7: {  	[sflag:s24] =	ssyncset.done $0x0  }
0xa8: {  	s25 =	simm.s32 $0x1B8E;
	[sflag:s24] =	ssyncadd.s32 $0xFFFFFFFF  }
0xa9: {  	s26 =	simm.s32 $execute0_lowered;
	[smem:$0x3FD2] =	sst s25  }
0xaa: {  	s8 =	sshll.u32 s26, $0x1;
	_ =	strace $0x80000046;
	[dreg:$0x1] =	wrdreg $0xFFFFFFFF  }
0xab: {  	s28 =	simm.s32 $_size_execute0_lowered;
	s7 =	sadd.s32 s7, s8;
	[dreg:$0x0] =	wrdreg $0x0  }
0xac: {  	s8 =	sshll.u32 s28, $0x1;
	[dreg:$0x2] =	wrdreg s7  }
0xad: {  	[dreg:$0x3] =	wrdreg s8  }
0xae: {  	[dreg:$0x4] =	wrdreg $0xC0  }
0xaf: {  	_ =	task [dreg:s11], $0x5FFFF  }
0xb0: {  	[dreg:$0x1] =	wrdreg $0xFFFFFFFF  }
0xb1: {  	[dreg:$0x0] =	wrdreg $0x60  }
0xb2: {  	[dreg:$0x2] =	wrdreg s2  }
0xb3: {  	[dreg:$0x3] =	wrdreg s19  }
0xb4: {  	[dreg:$0x4] =	wrdreg s4  }
0xb5: {  	[dreg:$0x5] =	wrdreg s5  }
0xb6: {  	[dreg:$0x6] =	wrdreg s6  }
0xb7: {  	[dreg:$0x7] =	wrdreg $0x120000  }
0xb8: {  	[dreg:$0x8] =	wrdreg $0x9  }
0xb9: {  	_ =	task.clear_ibuf [dreg:s11], $0x9FFFF;
	_ =	strace $0x90000046  }
0xba: {  	s29 =	simm.s32 $0x9;
	_ =	strace $0x80000048  }
0xbb: {  	_ =	swait.ge [sflag:s29], $0x1  }
0xbc: {  	[sflag:s29] =	ssyncadd.s32 $0xFFFFFFFF  }
0xbd: {  	_ =	strace $0x90000048  }
0xbe: {  	_ =	sfence  }
0xbf: {  	s30 =	sld [smem:$0x0];
	_ =	sdelay $0x2  }
0xc0: {  	s31 =	sshll.u32 s1, $0xD;
	s1 =	sshrl.u32 s1, $0x2  }
0xc1: {  	s3 =	sand.u32 $0x4000, s31;
	s1 =	sadd.s32 s1, s30  }
0xc2: {  	s0 =	sor.u32 s3, s0;
	s1 =	sshll.u32 s1, $0x11  }
0xc3: {  	s0 =	sor.u32 s1, s0  }
0xc4: {  	s0 =	sadd.s32 $0x8F2B, s0  }
0xc5: {  	[sflag:s0] =	ssyncadd.remote.s32 $0x1  }
0xc6: {  	_ =	sfence.sel $0xFFFF  }
0xc7: {  	[dreg:$0x0] =	wrdreg $0xFFFFFFFF;
	(pc) =	sbr.abs _section_cstart, $3  }
0xc8: {  	[dreg:$0x1] =	wrdreg $0xFFFFFFFF  }
0xc9: {  	_ =	task.clear_ibuf [dreg:s11], $0x2FFFF;
	_ =	strace $0x9FFFFFFF  }
0xca: {  	(tm) =	ssettm $0x7FFFFFFF  }
0xcb: {  	_ =	shalt  }
tec
execute0_lowered:
.L_overlay_start_1:
0x0: {  	(tag) =	ssettag $0x1  }
0x1: {  	s0 =	rddreg [dreg:$0x0]  }
0x2: {  	s1 =	rddreg [dreg:$0x1]  }
0x3: {  	s6 =	rddreg [dreg:$0x2]  }
0x4: {  	s5 =	rddreg [dreg:$0x4]  }
0x5: {  	s2 =	rddreg [dreg:$0x5];
	s3 =	simm.s32 $0x0  }
0x6: {  	s4 =	srdreg.scid;
	s8 =	stileid.u32;
	s12 =	simm.s32 $0x1  }
0x7: {  	s13 =	simm.s32 $0x2;
	s14 =	simm.s32 $0x3;
	s15 =	simm.s32 $0x40  }
0x8: {  	s17 =	simm.s32 $0xA000;
	s19 =	simm.s32 $0xC000;
	s21 =	simm.s32 $0xE000  }
0x9: {  	s23 =	simm.s32 $0x10000;
	s24 =	simm.s32 $0x4;
	s28 =	simm.s32 $0x7  }
0xa: {  	s29 =	simm.s32 $0x8;
	s30 =	simm.s32 $0x0;
	[smem:$0x7FF] =	sst s3  }
0xb: {  	s7 =	sand.u32 $0x1, s4;
	s9 =	sshll.u32 s8, $0xE;
	s26 =	sshll.u32 s8, $0x12  }
0xc: {  	p0 =	sne.s32 s8, $0x0;
	s4 =	ssub.s32 $0x2, s7;
	s10 =	sshll.u32 s7, $0xD  }
0xd: {  	_ =	strace $0x80000047;
	s31 =	sadd.s32 s26, s5;
	s7 =	sshll.u32 s7, $0x11  }
.Ltmp0:
0xe: {  	s11 =	sshrl.u32 s4, $0x1;
	s9 =	sor.u32 s10, s9;
	(pc) =	sbr.rel .LBB2_1-.Ltmp0, $4  }
0xf: {  	s26 =	simm.s32 $0x6;
	s25 =	ssub.s32 s4, s11;
	s9 =	sshrl.u32 s9, $0x3  }
0x10: {  	s11 =	sshrl.u32 @!p0 s2, $0x3;
	s0 =	sadd.s32 s0, s9;
	s5 =	sadd.s32 s1, s9  }
0x11: {  	s6 =	sadd.s32 s6, s9;
	[dreg:$0x7] =	wrdreg s0;
	s0 =	sadd.s32 s7, s31  }
0x12: {  	s7 =	smax.u32 s25, $0x1;
	s25 =	simm.s32 $0x5;
	s16 =	sadd.s32 $0xC00, s0  }
.LBB2_4:
0x13: {  	_ =	swait.ge [sflag:s25], $0x2000  }
0x14: {  	[sflag:s25] =	ssyncset.done $0x0  }
0x15: {  	[sflag:s25] =	ssyncadd.s32 $0xFFFFE000  }
0x16: {  	_ =	swait.ge [sflag:s26], $0x2000  }
0x17: {  	[sflag:s26] =	ssyncset.done $0x0  }
0x18: {  	s30 =	sadd.s32 $0x1, s30;
	[sflag:s26] =	ssyncadd.s32 $0xFFFFE000  }
0x19: {  	p1 =	sne.s32 s30, s7;
	_ =	swait.ge [sflag:s28], $0x2000  }
.Ltmp1:
0x1a: {  	[sflag:s28] =	ssyncset.done $0x0;
	(pc) =	sbr.rel @!p1 .LBB2_5-.Ltmp1, $4  }
0x1b: {  	[sflag:s28] =	ssyncadd.s32 $0xFFFFE000  }
0x1c: {  	_ =	swait.ge [sflag:s29], $0x2000  }
0x1d: {  	[sflag:s29] =	ssyncset.done $0x0  }
0x1e: {  	[sflag:s29] =	ssyncadd.s32 $0xFFFFE000  }
.LBB2_1:
0x1f: {  	s0 =	rddreg [dreg:$0x7]  }
0x20: {  	[tilespmem:s3], [sflag:$0x1] =	stream.linear.gather [hbm4b:s0+s3], $0x2000, $0x38;
	[tilespmem:$0x14788] =	vst v63  }
0x21: {  	s8 =	simm.s32 $0x2000  }
0x22: {  	[tilespmem:s8], [sflag:$0x2] =	stream.linear.gather [hbm4b:s5+s3], $0x2000, $0x38;
	[tilespmem:$0x14788] =	vst v63  }
0x23: {  	s9 =	simm.s32 $0x4000;
	s1 =	rddreg [dreg:$0x3];
	s0 =	simm.s32 @!p0 $0x1C09  }
0x24: {  	[tilespmem:s9], [sflag:$0x3] =	stream.linear.gather [hbm4b:s6+s3], $0x2000, $0x38;
	[tilespmem:$0x14788] =	vst v63  }
0x25: {  	[spmem:s11], [sflag:s0] =	dma.local @!p0 [hbm:s1], $0x4F10  }
0x26: {  	s0 =	simm.s32 @!p0 $0x9  }
0x27: {  	_ =	swait.ge @!p0 [sflag:s0], $0x4F10  }
0x28: {  	[sflag:s0] =	ssyncset.done @!p0 $0x0  }
0x29: {  	[sflag:s0] =	ssyncadd.s32 @!p0 $0xFFFFB0F0  }
0x2a: {  	_ =	swait.ge [sflag:s12], $0x2000  }
0x2b: {  	[sflag:s12] =	ssyncset.done $0x0  }
0x2c: {  	[sflag:s12] =	ssyncadd.s32 $0xFFFFE000  }
0x2d: {  	_ =	swait.ge [sflag:s13], $0x2000  }
0x2e: {  	[sflag:s13] =	ssyncset.done $0x0  }
0x2f: {  	[sflag:s13] =	ssyncadd.s32 $0xFFFFE000  }
0x30: {  	_ =	swait.ge [sflag:s14], $0x2000  }
0x31: {  	[sflag:s14] =	ssyncset.done $0x0  }
0x32: {  	[sflag:s14] =	ssyncadd.s32 $0xFFFFE000  }
0x33: {  	v0 =	vld [tilespmem:$0x0]  }
0x34: {  	v1 =	vld [tilespmem:$0x2000]  }
0x35: {  	v2 =	vld [tilespmem:$0x4000]  }
0x36: {  	v3 =	vld [tilespmem:$0x10]  }
0x37: {  	v4 =	vld [tilespmem:$0x2010]  }
0x38: {  	v5 =	vld [tilespmem:$0x4010]  }
0x39: {  	v6 =	vld [tilespmem:$0x20]  }
0x3a: {  	v7 =	vld [tilespmem:$0x2020]  }
0x3b: {  	v8 =	vld [tilespmem:$0x4020]  }
0x3c: {  	v9 =	vld [tilespmem:$0x30]  }
0x3d: {  	v10 =	vld [tilespmem:$0x2030]  }
0x3e: {  	v11 =	vld [tilespmem:$0x4030]  }
0x3f: {  	v12 =	vld [tilespmem:$0x40]  }
0x40: {  	v13 =	vld [tilespmem:$0x2040]  }
0x41: {  	v14 =	vld [tilespmem:$0x4040]  }
0x42: {  	v42 =	vld [tilespmem:$0x2050]  }
0x43: {  	v15 =	vld [tilespmem:$0x4050]  }
0x44: {  	v16 =	vld [tilespmem:$0x60]  }
0x45: {  	v51 =	vld [tilespmem:$0x2070]  }
0x46: {  	v17 =	vld [tilespmem:$0x4070]  }
0x47: {  	v54 =	vld [tilespmem:$0x80]  }
0x48: {  	v58 =	vld [tilespmem:$0x4080]  }
0x49: {  	v18 =	vld [tilespmem:$0x2090]  }
0x4a: {  	v61 =	vld [tilespmem:$0x4090]  }
0x4b: {  	v63 =	vld [tilespmem:$0xA0];
	v2 =	vadd.s32 $0x5, v2  }
0x4c: {  	v19 =	vld [tilespmem:$0x20A0];
	v0 =	vmul.u32 $0x37, v0;
	v1 =	vmul.u32 $0xB, v1;
	v5 =	vadd.s32 $0x5, v5  }
0x4d: {  	v25 =	vld [tilespmem:$0xB0];
	v41 =	vadd.s32 $0x5, v8;
	v3 =	vmul.u32 $0x37, v3;
	v4 =	vmul.u32 $0xB, v4  }
0x4e: {  	v26 =	vld [tilespmem:$0x20B0];
	v6 =	vmul.u32 $0x37, v6;
	v7 =	vmul.u32 $0xB, v7;
	v11 =	vadd.s32 $0x5, v11  }
0x4f: {  	v31 =	vld [tilespmem:$0x40C0];
	v48 =	vmul.u32 $0x37, v9;
	v49 =	vmul.u32 $0xB, v10;
	v50 =	vadd.s32 $0x5, v14  }
0x50: {  	v38 =	vld [tilespmem:$0xE0];
	v12 =	vmul.u32 $0x37, v12;
	v13 =	vmul.u32 $0xB, v13;
	v53 =	vadd.s32 $0x5, v15  }
0x51: {  	v8 =	vmul.u32 $0xB, v42;
	v16 =	vmul.u32 $0x37, v16;
	v62 =	vadd.s32 $0x5, v17  }
0x52: {  	v14 =	vmul.u32 $0xB, v51;
	v10 =	vadd.s32 $0x5, v58;
	v15 =	vmul.u32 $0x37, v54  }
0x53: {  	v28 =	vadd.s32 $0x5, v61;
	v18 =	vmul.u32 $0xB, v18;
	v17 =	vmul.u32 $0x37, v63  }
0x54: {  	v40 =	vld [tilespmem:$0x50];
	v19 =	vmul.u32 $0xB, v19;
	v33 =	vmul.u32 $0x37, v25;
	v34 =	vmul.u32 $0xB, v26  }
0x55: {  	v43 =	vld [tilespmem:$0x2060];
	v42 =	vadd.s32 $0x5, v31;
	v58 =	vmul.u32 $0x37, v38;
	vm0 =	vgt.s32 v2, $0x0  }
0x56: {  	v45 =	vld [tilespmem:$0x4060];
	vm13 =	vgt.s32 v5, $0x0;
	vm14 =	vgt.s32 v41, $0x0;
	vm15 =	vgt.s32 v11, $0x0  }
0x57: {  	v55 =	vld [tilespmem:$0x2080];
	vm4 =	vgt.s32 v50, $0x0;
	vm5 =	vgt.s32 v53, $0x0;
	vm7 =	vgt.s32 v62, $0x0  }
0x58: {  	v20 =	vld [tilespmem:$0x20C0];
	vm8 =	vgt.s32 v10, $0x0;
	vm9 =	vgt.s32 v28, $0x0;
	vm12 =	vgt.s32 v42, $0x0  }
0x59: {  	v32 =	vld [tilespmem:$0xD0];
	v2 =	vnsel vm0, $0x0, v2;
	v0 =	vadd.s32 v0, v1;
	v39 =	vnsel vm13, $0x0, v5  }
0x5a: {  	v21 =	vld [tilespmem:$0x20D0];
	v3 =	vadd.s32 v3, v4;
	v6 =	vadd.s32 v6, v7;
	v44 =	vnsel vm15, $0x0, v11  }
0x5b: {  	v7 =	vadd.s32 v48, v49;
	v52 =	vnsel vm4, $0x0, v50;
	v12 =	vadd.s32 v12, v13  }
0x5c: {  	v57 =	vnsel vm5, $0x0, v53;
	v5 =	vmul.u32 $0x37, v40;
	v11 =	vadd.s32 $0x5, v45  }
0x5d: {  	v30 =	vld [tilespmem:$0xC0];
	v4 =	vmul.u32 $0xB, v43;
	v23 =	vnsel vm7, $0x0, v62;
	v13 =	vmul.u32 $0xB, v55  }
0x5e: {  	v27 =	vnsel vm8, $0x0, v10;
	v10 =	vnsel vm9, $0x0, v28;
	v37 =	vadd.s32 v17, v19  }
0x5f: {  	v45 =	vmul.u32 $0xB, v20;
	v48 =	vmul.u32 $0x37, v32;
	v49 =	vmul.u32 $0xB, v21  }
0x60: {  	v59 =	vld [tilespmem:$0x90];
	v2 =	vmin.u32 v2, $0xA;
	v1 =	vmin.u32 v39, $0xA;
	v46 =	vmin.u32 v44, $0xA  }
0x61: {  	v29 =	vld [tilespmem:$0x40B0];
	v9 =	vmin.u32 v52, $0xA;
	vm6 =	vgt.s32 v11, $0x0;
	v10 =	vmin.u32 v10, $0xA  }
0x62: {  	v24 =	vld [tilespmem:$0x40A0];
	v44 =	vmul.u32 $0x37, v30;
	v0 =	vadd.s32 v2, v0;
	v2 =	vnsel vm14, $0x0, v41  }
0x63: {  	v1 =	vadd.s32 v1, v3;
	v3 =	vadd.s32 v46, v7;
	v56 =	vadd.s32 v9, v12  }
0x64: {  	v47 =	vld [tilespmem:$0x70];
	v9 =	vmin.u32 v57, $0xA;
	v5 =	vadd.s32 v5, v8;
	v60 =	vnsel vm6, $0x0, v11  }
0x65: {  	v4 =	vadd.s32 v16, v4;
	v13 =	vadd.s32 v15, v13;
	v12 =	vmul.u32 $0x37, v59  }
0x66: {  	v35 =	vld [tilespmem:$0x40D0];
	v11 =	vadd.s32 $0x5, v29;
	v53 =	vadd.s32 v48, v49;
	v2 =	vmin.u32 v2, $0xA  }
0x67: {  	v8 =	vmin.u32 v60, $0xA;
	v5 =	vadd.s32 v9, v5;
	v9 =	vadd.s32 $0x5, v24;
	[tilespmem:$0x6000] =	vst v0  }
0x68: {  	v43 =	vld [tilespmem:$0x20E0];
	vm11 =	vgt.s32 v11, $0x0;
	v0 =	vadd.s32 v33, v34;
	[tilespmem:$0x6030] =	vst v3;
	v3 =	vnsel vm12, $0x0, v42  }
0x69: {  	v50 =	vld [tilespmem:$0x40F0];
	v51 =	vadd.s32 v44, v45;
	v2 =	vadd.s32 v2, v6;
	v6 =	vmul.u32 $0x37, v47  }
0x6a: {  	[tilespmem:$0x6010] =	vst v1;
	v4 =	vadd.s32 v8, v4;
	v8 =	vmin.u32 v23, $0xA;
	vm10 =	vgt.s32 v9, $0x0  }
0x6b: {  	v52 =	vld [tilespmem:$0x20F0];
	[tilespmem:$0x6080] =	vst v56;
	v12 =	vadd.s32 v12, v18;
	v11 =	vnsel vm11, $0x0, v11;
	v47 =	vadd.s32 $0x5, v35  }
0x6c: {  	v41 =	vld [tilespmem:$0x40E0];
	[tilespmem:$0x6090] =	vst v5;
	v3 =	vmin.u32 v3, $0xA;
	v9 =	vnsel vm10, $0x0, v9;
	v36 =	vadd.s32 v10, v12  }
0x6d: {  	v46 =	vld [tilespmem:$0xF0];
	[tilespmem:$0x6020] =	vst v2;
	v40 =	vmin.u32 v11, $0xA;
	vm13 =	vgt.s32 v47, $0x0;
	v55 =	vadd.s32 v3, v51  }
0x6e: {  	[tilespmem:$0x60A0] =	vst v4;
	v59 =	vmul.u32 $0xB, v43;
	v60 =	vadd.s32 $0x5, v50;
	v6 =	vadd.s32 v6, v14  }
0x6f: {  	v39 =	vmin.u32 v9, $0xA;
	v0 =	vadd.s32 v40, v0;
	v5 =	vnsel vm13, $0x0, v47;
	[tilespmem:$0x6110] =	vst v36  }
0x70: {  	vm15 =	vgt.s32 v60, $0x0;
	v7 =	vmul.u32 $0xB, v52;
	[tilespmem:$0x6180] =	vst v55;
	v6 =	vadd.s32 v8, v6  }
0x71: {  	v8 =	vmin.u32 v27, $0xA;
	v2 =	vadd.s32 v39, v37;
	v54 =	vadd.s32 $0x5, v41;
	[tilespmem:$0x6130] =	vst v0  }
0x72: {  	v5 =	vmin.u32 v5, $0xA;
	v61 =	vmul.u32 $0x37, v46;
	v63 =	vnsel vm15, $0x0, v60;
	[tilespmem:$0x60B0] =	vst v6  }
0x73: {  	v8 =	vadd.s32 v8, v13;
	vm14 =	vgt.s32 v54, $0x0;
	v56 =	vadd.s32 v5, v53;
	[tilespmem:$0x6120] =	vst v2  }
0x74: {  	v2 =	vmin.u32 v63, $0xA;
	[tilespmem:$0x6100] =	vst v8;
	v57 =	vnsel vm14, $0x0, v54;
	v0 =	vadd.s32 v61, v7  }
0x75: {  	v62 =	vadd.s32 v58, v59;
	[tilespmem:$0x6190] =	vst v56;
	v4 =	vmin.u32 v57, $0xA;
	v0 =	vadd.s32 v2, v0  }
0x76: {  	v1 =	vadd.s32 v4, v62;
	[tilespmem:$0x61B0] =	vst v0  }
0x77: {  	[tilespmem:$0x61A0] =	vst v1  }
0x78: {  	s10 =	simm.s32 $0x6000;
	[bflag:$0x0] =	sbarrier.arrive $0xFFFF  }
0x79: {  	[tilespmem:s17], [sflag:$0x1] =	stream.indirect.gather [spmem:s2], $0x80, s10, s15, $0xb8;
	[tilespmem:$0x14788] =	vst v63  }
0x7a: {  	s18 =	simm.s32 $0x6080;
	s20 =	simm.s32 $0x6100;
	s22 =	simm.s32 $0x6180  }
0x7b: {  	[tilespmem:s19], [sflag:$0x2] =	stream.indirect.gather [spmem:s2], $0x80, s18, s15, $0xb8;
	[tilespmem:$0x14788] =	vst v63  }
0x7c: {  	s31 =	simm.s32 $0x1C0;
	s8 =	smov.u32 s16;
	s9 =	simm.s32 $0x1C0  }
0x7d: {  	[tilespmem:s21], [sflag:$0x3] =	stream.indirect.gather [spmem:s2], $0x80, s20, s15, $0xb8;
	[tilespmem:$0x14788] =	vst v63  }
0x7e: {  	s1 =	simm.s32 $0x21C0;
	s0 =	simm.s32 $0x41C0;
	s10 =	simm.s32 $0x0  }
0x7f: {  	[tilespmem:s23], [sflag:$0x4] =	stream.indirect.gather [spmem:s2], $0x80, s22, s15, $0xb8;
	[tilespmem:$0x14788] =	vst v63  }
.LBB2_2:
0x80: {  	_ =	swait.ge [sflag:s12], $0x2000  }
0x81: {  	[sflag:s12] =	ssyncset.done $0x0  }
0x82: {  	s18 =	sadd.s32 $0xFFFFF400, s8;
	p1 =	seq.s32 s10, $0xF800;
	[sflag:s12] =	ssyncadd.s32 $0xFFFFE000  }
0x83: {  	[hbm4b:s18+s3] =	stream.linear.scatter [tilespmem:s17], [sflag:$0x5], $0x2000, $0x38;
	[tilespmem:$0x14788] =	vst v63  }
0x84: {  	v0 =	vld @!p1 [tilespmem:s31+$0xFFFFFF40]  }
0x85: {  	v1 =	vld @!p1 [tilespmem:s0+$0xFFFFFF40]  }
0x86: {  	v2 =	vld @!p1 [tilespmem:s1+$0xFFFFFF40];
	_ =	sdelay $0x3  }
0x87: {  	v1 =	vadd.s32 @!p1 $0x5, v1  }
0x88: {  	v0 =	vmul.u32 @!p1 $0x37, v0;
	v2 =	vmul.u32 @!p1 $0xB, v2;
	vm0 =	vgt.s32 @!p1 v1, $0x0  }
0x89: {  	v1 =	vnsel @!p1 vm0, $0x0, v1  }
0x8a: {  	v0 =	vadd.s32 @!p1 v0, v2;
	v1 =	vmin.u32 @!p1 v1, $0xA  }
0x8b: {  	s18 =	sshra.s32 @!p1 s10, $0x2;
	v0 =	vadd.s32 @!p1 v1, v0  }
0x8c: {  	[tilespmem:s18+$0x6200] =	vst @!p1 v0  }
0x8d: {  	v0 =	vld @!p1 [tilespmem:s31+$0xFFFFFF50]  }
0x8e: {  	v1 =	vld @!p1 [tilespmem:s0+$0xFFFFFF50]  }
0x8f: {  	v2 =	vld @!p1 [tilespmem:s1+$0xFFFFFF50];
	_ =	sdelay $0x3  }
0x90: {  	v1 =	vadd.s32 @!p1 $0x5, v1  }
0x91: {  	v0 =	vmul.u32 @!p1 $0x37, v0;
	v2 =	vmul.u32 @!p1 $0xB, v2;
	vm0 =	vgt.s32 @!p1 v1, $0x0  }
0x92: {  	v1 =	vnsel @!p1 vm0, $0x0, v1  }
0x93: {  	v0 =	vadd.s32 @!p1 v0, v2;
	v1 =	vmin.u32 @!p1 v1, $0xA  }
0x94: {  	v0 =	vadd.s32 @!p1 v1, v0  }
0x95: {  	[tilespmem:s18+$0x6210] =	vst @!p1 v0  }
0x96: {  	v0 =	vld @!p1 [tilespmem:s31+$0xFFFFFF60]  }
0x97: {  	v1 =	vld @!p1 [tilespmem:s0+$0xFFFFFF60]  }
0x98: {  	v2 =	vld @!p1 [tilespmem:s1+$0xFFFFFF60];
	_ =	sdelay $0x3  }
0x99: {  	v1 =	vadd.s32 @!p1 $0x5, v1  }
0x9a: {  	v0 =	vmul.u32 @!p1 $0x37, v0;
	v2 =	vmul.u32 @!p1 $0xB, v2;
	vm0 =	vgt.s32 @!p1 v1, $0x0  }
0x9b: {  	v1 =	vnsel @!p1 vm0, $0x0, v1  }
0x9c: {  	v0 =	vadd.s32 @!p1 v0, v2;
	v1 =	vmin.u32 @!p1 v1, $0xA  }
0x9d: {  	v0 =	vadd.s32 @!p1 v1, v0  }
0x9e: {  	[tilespmem:s18+$0x6220] =	vst @!p1 v0  }
0x9f: {  	v0 =	vld @!p1 [tilespmem:s31+$0xFFFFFF70]  }
0xa0: {  	v1 =	vld @!p1 [tilespmem:s0+$0xFFFFFF70]  }
0xa1: {  	v2 =	vld @!p1 [tilespmem:s1+$0xFFFFFF70];
	_ =	sdelay $0x3  }
0xa2: {  	v1 =	vadd.s32 @!p1 $0x5, v1  }
0xa3: {  	v0 =	vmul.u32 @!p1 $0x37, v0;
	v2 =	vmul.u32 @!p1 $0xB, v2;
	vm0 =	vgt.s32 @!p1 v1, $0x0  }
0xa4: {  	v1 =	vnsel @!p1 vm0, $0x0, v1  }
0xa5: {  	v0 =	vadd.s32 @!p1 v0, v2;
	v1 =	vmin.u32 @!p1 v1, $0xA  }
0xa6: {  	v0 =	vadd.s32 @!p1 v1, v0  }
0xa7: {  	s20 =	simm.s32 @!p1 $0x5;
	[tilespmem:s18+$0x6230] =	vst @!p1 v0  }
0xa8: {  	_ =	swait.ge @!p1 [sflag:s20], $0x2000  }
0xa9: {  	s4 =	simm.s32 @!p1 $0xA000;
	[sflag:s20] =	ssyncset.done @!p1 $0x0  }
0xaa: {  	s22 =	sadd.s32 @!p1 $0x6200, s18;
	[sflag:s20] =	ssyncadd.s32 @!p1 $0xFFFFE000;
	s20 =	simm.s32 @!p1 $0x40  }
0xab: {  	[tilespmem:s4], [sflag:$0x1] =	stream.indirect.gather @!p1 [spmem:s2], $0x80, s22, s20, $0xb8;
	[tilespmem:$0x14788] =	vst v63  }
0xac: {  	_ =	swait.ge [sflag:s13], $0x2000  }
0xad: {  	[sflag:s13] =	ssyncset.done $0x0  }
0xae: {  	s22 =	sadd.s32 $0xFFFFF800, s8;
	[sflag:s13] =	ssyncadd.s32 $0xFFFFE000  }
0xaf: {  	[hbm4b:s22+s3] =	stream.linear.scatter [tilespmem:s19], [sflag:$0x6], $0x2000, $0x38;
	[tilespmem:$0x14788] =	vst v63  }
0xb0: {  	v0 =	vld @!p1 [tilespmem:s31+$0xFFFFFF80]  }
0xb1: {  	v1 =	vld @!p1 [tilespmem:s0+$0xFFFFFF80]  }
0xb2: {  	v2 =	vld @!p1 [tilespmem:s1+$0xFFFFFF80];
	_ =	sdelay $0x3  }
0xb3: {  	v1 =	vadd.s32 @!p1 $0x5, v1  }
0xb4: {  	v0 =	vmul.u32 @!p1 $0x37, v0;
	v2 =	vmul.u32 @!p1 $0xB, v2;
	vm0 =	vgt.s32 @!p1 v1, $0x0  }
0xb5: {  	v1 =	vnsel @!p1 vm0, $0x0, v1  }
0xb6: {  	v0 =	vadd.s32 @!p1 v0, v2;
	v1 =	vmin.u32 @!p1 v1, $0xA  }
0xb7: {  	s4 =	sadd.s32 @!p1 $0xFFFFFF80, s9;
	v0 =	vadd.s32 @!p1 v1, v0  }
0xb8: {  	s22 =	sor.u32 @!p1 $0x50, s4;
	[tilespmem:s18+$0x6280] =	vst @!p1 v0  }
0xb9: {  	v0 =	vld @!p1 [tilespmem:s22+$0x0]  }
0xba: {  	v1 =	vld @!p1 [tilespmem:s22+$0x4000]  }
0xbb: {  	v2 =	vld @!p1 [tilespmem:s22+$0x2000];
	_ =	sdelay $0x3  }
0xbc: {  	v1 =	vadd.s32 @!p1 $0x5, v1  }
0xbd: {  	v0 =	vmul.u32 @!p1 $0x37, v0;
	v2 =	vmul.u32 @!p1 $0xB, v2;
	vm0 =	vgt.s32 @!p1 v1, $0x0  }
0xbe: {  	v1 =	vnsel @!p1 vm0, $0x0, v1  }
0xbf: {  	v0 =	vadd.s32 @!p1 v0, v2;
	v1 =	vmin.u32 @!p1 v1, $0xA  }
0xc0: {  	v0 =	vadd.s32 @!p1 v1, v0  }
0xc1: {  	s22 =	sor.u32 @!p1 $0x60, s4;
	[tilespmem:s18+$0x6290] =	vst @!p1 v0  }
0xc2: {  	v0 =	vld @!p1 [tilespmem:s22+$0x0]  }
0xc3: {  	v1 =	vld @!p1 [tilespmem:s22+$0x4000]  }
0xc4: {  	v2 =	vld @!p1 [tilespmem:s22+$0x2000];
	_ =	sdelay $0x3  }
0xc5: {  	v1 =	vadd.s32 @!p1 $0x5, v1  }
0xc6: {  	v0 =	vmul.u32 @!p1 $0x37, v0;
	v2 =	vmul.u32 @!p1 $0xB, v2;
	vm0 =	vgt.s32 @!p1 v1, $0x0  }
0xc7: {  	v1 =	vnsel @!p1 vm0, $0x0, v1  }
0xc8: {  	v0 =	vadd.s32 @!p1 v0, v2;
	v1 =	vmin.u32 @!p1 v1, $0xA  }
0xc9: {  	v0 =	vadd.s32 @!p1 v1, v0  }
0xca: {  	s4 =	sor.u32 @!p1 $0x70, s4;
	[tilespmem:s18+$0x62A0] =	vst @!p1 v0  }
0xcb: {  	v0 =	vld @!p1 [tilespmem:s4+$0x0]  }
0xcc: {  	v1 =	vld @!p1 [tilespmem:s4+$0x4000]  }
0xcd: {  	v2 =	vld @!p1 [tilespmem:s4+$0x2000];
	_ =	sdelay $0x3  }
0xce: {  	v1 =	vadd.s32 @!p1 $0x5, v1  }
0xcf: {  	v0 =	vmul.u32 @!p1 $0x37, v0;
	v2 =	vmul.u32 @!p1 $0xB, v2;
	vm0 =	vgt.s32 @!p1 v1, $0x0  }
0xd0: {  	v1 =	vnsel @!p1 vm0, $0x0, v1  }
0xd1: {  	v0 =	vadd.s32 @!p1 v0, v2;
	v1 =	vmin.u32 @!p1 v1, $0xA  }
0xd2: {  	v0 =	vadd.s32 @!p1 v1, v0  }
0xd3: {  	s4 =	simm.s32 @!p1 $0x6;
	[tilespmem:s18+$0x62B0] =	vst @!p1 v0  }
0xd4: {  	_ =	swait.ge @!p1 [sflag:s4], $0x2000  }
0xd5: {  	[sflag:s4] =	ssyncset.done @!p1 $0x0  }
0xd6: {  	s22 =	sadd.s32 @!p1 $0x6280, s18;
	[sflag:s4] =	ssyncadd.s32 @!p1 $0xFFFFE000;
	s4 =	simm.s32 @!p1 $0xC000  }
0xd7: {  	[tilespmem:s4], [sflag:$0x2] =	stream.indirect.gather @!p1 [spmem:s2], $0x80, s22, s20, $0xb8;
	[tilespmem:$0x14788] =	vst v63  }
0xd8: {  	_ =	swait.ge [sflag:s14], $0x2000  }
0xd9: {  	[sflag:s14] =	ssyncset.done $0x0  }
0xda: {  	s22 =	sadd.s32 $0xFFFFFC00, s8;
	[sflag:s14] =	ssyncadd.s32 $0xFFFFE000  }
0xdb: {  	[hbm4b:s22+s3] =	stream.linear.scatter [tilespmem:s21], [sflag:$0x7], $0x2000, $0x38;
	[tilespmem:$0x14788] =	vst v63  }
0xdc: {  	v0 =	vld @!p1 [tilespmem:s31+$0xFFFFFFC0]  }
0xdd: {  	v1 =	vld @!p1 [tilespmem:s0+$0xFFFFFFC0]  }
0xde: {  	v2 =	vld @!p1 [tilespmem:s1+$0xFFFFFFC0];
	_ =	sdelay $0x3  }
0xdf: {  	v1 =	vadd.s32 @!p1 $0x5, v1  }
0xe0: {  	v0 =	vmul.u32 @!p1 $0x37, v0;
	v2 =	vmul.u32 @!p1 $0xB, v2;
	vm0 =	vgt.s32 @!p1 v1, $0x0  }
0xe1: {  	v1 =	vnsel @!p1 vm0, $0x0, v1  }
0xe2: {  	v0 =	vadd.s32 @!p1 v0, v2;
	v1 =	vmin.u32 @!p1 v1, $0xA  }
0xe3: {  	v0 =	vadd.s32 @!p1 v1, v0  }
0xe4: {  	[tilespmem:s18+$0x6300] =	vst @!p1 v0  }
0xe5: {  	v0 =	vld @!p1 [tilespmem:s31+$0xFFFFFFD0]  }
0xe6: {  	v1 =	vld @!p1 [tilespmem:s0+$0xFFFFFFD0]  }
0xe7: {  	v2 =	vld @!p1 [tilespmem:s1+$0xFFFFFFD0];
	_ =	sdelay $0x3  }
0xe8: {  	v1 =	vadd.s32 @!p1 $0x5, v1  }
0xe9: {  	v0 =	vmul.u32 @!p1 $0x37, v0;
	v2 =	vmul.u32 @!p1 $0xB, v2;
	vm0 =	vgt.s32 @!p1 v1, $0x0  }
0xea: {  	v1 =	vnsel @!p1 vm0, $0x0, v1  }
0xeb: {  	v0 =	vadd.s32 @!p1 v0, v2;
	v1 =	vmin.u32 @!p1 v1, $0xA  }
0xec: {  	v0 =	vadd.s32 @!p1 v1, v0  }
0xed: {  	[tilespmem:s18+$0x6310] =	vst @!p1 v0  }
0xee: {  	v0 =	vld @!p1 [tilespmem:s31+$0xFFFFFFE0]  }
0xef: {  	v1 =	vld @!p1 [tilespmem:s0+$0xFFFFFFE0]  }
0xf0: {  	v2 =	vld @!p1 [tilespmem:s1+$0xFFFFFFE0];
	_ =	sdelay $0x3  }
0xf1: {  	v1 =	vadd.s32 @!p1 $0x5, v1  }
0xf2: {  	v0 =	vmul.u32 @!p1 $0x37, v0;
	v2 =	vmul.u32 @!p1 $0xB, v2;
	vm0 =	vgt.s32 @!p1 v1, $0x0  }
0xf3: {  	v1 =	vnsel @!p1 vm0, $0x0, v1  }
0xf4: {  	v0 =	vadd.s32 @!p1 v0, v2;
	v1 =	vmin.u32 @!p1 v1, $0xA  }
0xf5: {  	v0 =	vadd.s32 @!p1 v1, v0  }
0xf6: {  	[tilespmem:s18+$0x6320] =	vst @!p1 v0  }
0xf7: {  	v0 =	vld @!p1 [tilespmem:s31+$0xFFFFFFF0]  }
0xf8: {  	v1 =	vld @!p1 [tilespmem:s0+$0xFFFFFFF0]  }
0xf9: {  	v2 =	vld @!p1 [tilespmem:s1+$0xFFFFFFF0];
	_ =	sdelay $0x3  }
0xfa: {  	v1 =	vadd.s32 @!p1 $0x5, v1  }
0xfb: {  	v0 =	vmul.u32 @!p1 $0x37, v0;
	v2 =	vmul.u32 @!p1 $0xB, v2;
	vm0 =	vgt.s32 @!p1 v1, $0x0  }
0xfc: {  	v1 =	vnsel @!p1 vm0, $0x0, v1  }
0xfd: {  	v0 =	vadd.s32 @!p1 v0, v2;
	v1 =	vmin.u32 @!p1 v1, $0xA  }
0xfe: {  	v0 =	vadd.s32 @!p1 v1, v0  }
0xff: {  	s4 =	simm.s32 @!p1 $0x7;
	[tilespmem:s18+$0x6330] =	vst @!p1 v0  }
0x100: {  	_ =	swait.ge @!p1 [sflag:s4], $0x2000  }
0x101: {  	[sflag:s4] =	ssyncset.done @!p1 $0x0  }
0x102: {  	s18 =	sadd.s32 @!p1 $0x6300, s18;
	[sflag:s4] =	ssyncadd.s32 @!p1 $0xFFFFE000;
	s4 =	simm.s32 @!p1 $0xE000  }
0x103: {  	[tilespmem:s4], [sflag:$0x3] =	stream.indirect.gather @!p1 [spmem:s2], $0x80, s18, s20, $0xb8;
	[tilespmem:$0x14788] =	vst v63  }
.Ltmp2:
0x104: {  	_ = 	snop;
	(pc) =	sbr.rel @p1 .LBB2_4-.Ltmp2, $4  }
0x105: {  	_ =	swait.ge [sflag:s24], $0x2000  }
0x106: {  	[sflag:s24] =	ssyncset.done $0x0  }
0x107: {  	[sflag:s24] =	ssyncadd.s32 $0xFFFFE000  }
0x108: {  	[hbm4b:s8+s3] =	stream.linear.scatter [tilespmem:s23], [sflag:$0x8], $0x2000, $0x38;
	[tilespmem:$0x14788] =	vst v63  }
0x109: {  	v0 =	vld [tilespmem:s31+$0x0]  }
0x10a: {  	v1 =	vld [tilespmem:s0+$0x0]  }
0x10b: {  	v2 =	vld [tilespmem:s1+$0x0];
	_ =	sdelay $0x3  }
0x10c: {  	v1 =	vadd.s32 $0x5, v1  }
0x10d: {  	v0 =	vmul.u32 $0x37, v0;
	v2 =	vmul.u32 $0xB, v2;
	vm0 =	vgt.s32 v1, $0x0  }
0x10e: {  	v1 =	vnsel vm0, $0x0, v1  }
0x10f: {  	v0 =	vadd.s32 v0, v2;
	v1 =	vmin.u32 v1, $0xA  }
0x110: {  	s4 =	sshra.s32 s10, $0x2;
	v0 =	vadd.s32 v1, v0  }
0x111: {  	s18 =	sor.u32 $0x50, s9;
	[tilespmem:s4+$0x6380] =	vst v0  }
0x112: {  	v0 =	vld [tilespmem:s18+$0x0]  }
0x113: {  	v58 =	vld [tilespmem:s18+$0x4000]  }
0x114: {  	v59 =	vld [tilespmem:s18+$0x2000];
	_ =	sdelay $0x3  }
0x115: {  	v1 =	vadd.s32 $0x5, v58  }
0x116: {  	v0 =	vmul.u32 $0x37, v0;
	v2 =	vmul.u32 $0xB, v59;
	vm13 =	vgt.s32 v1, $0x0  }
0x117: {  	v1 =	vnsel vm13, $0x0, v1  }
0x118: {  	v0 =	vadd.s32 v0, v2;
	v1 =	vmin.u32 v1, $0xA  }
0x119: {  	v0 =	vadd.s32 v1, v0  }
0x11a: {  	s20 =	sor.u32 $0x60, s9;
	[tilespmem:s4+$0x6390] =	vst v0  }
0x11b: {  	v0 =	vld [tilespmem:s20+$0x0]  }
0x11c: {  	v60 =	vld [tilespmem:s20+$0x4000]  }
0x11d: {  	v61 =	vld [tilespmem:s20+$0x2000];
	_ =	sdelay $0x3  }
0x11e: {  	v1 =	vadd.s32 $0x5, v60  }
0x11f: {  	v0 =	vmul.u32 $0x37, v0;
	v2 =	vmul.u32 $0xB, v61;
	vm14 =	vgt.s32 v1, $0x0  }
0x120: {  	v1 =	vnsel vm14, $0x0, v1  }
0x121: {  	v0 =	vadd.s32 v0, v2;
	v1 =	vmin.u32 v1, $0xA  }
0x122: {  	v0 =	vadd.s32 v1, v0  }
0x123: {  	s22 =	sor.u32 $0x70, s9;
	[tilespmem:s4+$0x63A0] =	vst v0  }
0x124: {  	v0 =	vld [tilespmem:s22+$0x0]  }
0x125: {  	v62 =	vld [tilespmem:s22+$0x4000]  }
0x126: {  	v63 =	vld [tilespmem:s22+$0x2000];
	_ =	sdelay $0x3  }
0x127: {  	v1 =	vadd.s32 $0x5, v62  }
0x128: {  	v0 =	vmul.u32 $0x37, v0;
	v2 =	vmul.u32 $0xB, v63;
	vm15 =	vgt.s32 v1, $0x0  }
0x129: {  	v1 =	vnsel vm15, $0x0, v1  }
0x12a: {  	v0 =	vadd.s32 v0, v2;
	v1 =	vmin.u32 v1, $0xA  }
0x12b: {  	v0 =	vadd.s32 v1, v0  }
.Ltmp3:
0x12c: {  	s8 =	sadd.s32 $0x1000, s8;
	[tilespmem:s4+$0x63B0] =	vst v0;
	(pc) =	sbr.rel .LBB2_2-.Ltmp3, $4  }
0x12d: {  	s10 =	sadd.s32 $0x800, s10;
	s9 =	sadd.s32 $0x100, s9;
	_ =	swait.ge [sflag:s29], $0x2000  }
0x12e: {  	s0 =	sadd.s32 $0x100, s0;
	s1 =	sadd.s32 $0x100, s1;
	[sflag:s29] =	ssyncset.done $0x0  }
0x12f: {  	s31 =	sadd.s32 $0x100, s31;
	s4 =	sadd.s32 $0x6380, s4;
	[sflag:s29] =	ssyncadd.s32 $0xFFFFE000  }
0x130: {  	[tilespmem:s23], [sflag:$0x4] =	stream.indirect.gather [spmem:s2], $0x80, s4, s15, $0xb8;
	[tilespmem:$0x14788] =	vst v63  }
.LBB2_5:
0x131: {  	_ =	sfence.sel $0x180000  }
0x132: {  	[bflag:$0x0] =	sbarrier.arrive $0xFFFF  }
0x133: {  	_ =	strace $0x90000047  }
0x134: {  	[bflag:$0x2] =	sbarrier.arrive $0xFFFF  }
0x135: {  	s0 =	rddreg [dreg:$0x6]  }
0x136: {  	s0 =	sadd.s32 @!p0 $0x100000, s0  }
0x137: {  	[sflag:s0] =	ssyncadd.tile.s32 @!p0 $0x1;
	_ =	shalt  }
.Lfunc_end2:
_tile_overlayer_lowered:
.L_overlay_start_2:
0x138: {  	(tag) =	ssettag $0x2  }
0x139: {  	s0 =	rddreg [dreg:$0x0];
	s2 =	stileid.u32  }
0x13a: {  	s1 =	rddreg [dreg:$0x1];
	p0 =	sne.s32 s2, $0x0  }
0x13b: {  	s3 =	rddreg [dreg:$0x2];
	[bflag:$0x3] =	sbarrier.arrive $0xFFFF;
	s2 =	simm.s32 @!p0 $0x1C09  }
0x13c: {  	[timem:s3], [sflag:s2] =	dma.local @!p0 [hbm:s0], s1  }
0x13d: {  	s0 =	simm.s32 @!p0 $0x9  }
0x13e: {  	_ =	swait.ge @!p0 [sflag:s0], s1  }
0x13f: {  	s1 =	ssub.s32 @!p0 $0x0, s1;
	[sflag:s0] =	ssyncset.done @!p0 $0x0  }
0x140: {  	[sflag:s0] =	ssyncadd.s32 @!p0 s1  }
0x141: {  	[bflag:$0x3] =	sbarrier.arrive $0xFFFF  }
0x142: {  	_ =	shalt  }

</sc_bundles>
